<compile_context>
chip_gen: v7x
topology: tpu7x:2x2x1
jax: 0.10.2.dev20260603
libtpu: 0.0.44.dev20260713+nightly
codegen_flags: <defaults>
</compile_context>

<pallas_src>
import jax
import jax.numpy as jnp
from jax import lax
from jax.experimental import pallas as pl
from jax.experimental.pallas import tpu as pltpu
from jax.experimental.pallas import tpu_sc as plsc

N = 10000
E = 320000
F_IN = 128
H1, C1 = 8, 32
NUM_CLASSES = 40

NP = 10112
EP = 335872
BLK = 128

_NS = 16
_RPS = NP // _NS

_B1 = 128
_PT1 = EP // _NS
_NB1 = _PT1 // _B1

_B2 = 128
_PT2 = EP // (2 * _NS)
_NB2 = _PT2 // _B2



def _mm_att_kernel(x_ref, w_ref, asrc_ref, adst_ref, h_ref, as_ref, ad_ref):
    h = jnp.dot(x_ref[...], w_ref[...], preferred_element_type=jnp.float32)
    h_ref[...] = h
    as_ref[...] = jnp.dot(h, asrc_ref[...], preferred_element_type=jnp.float32)
    ad_ref[...] = jnp.dot(h, adst_ref[...], preferred_element_type=jnp.float32)


def _dense_layer(x_pad, W, att_src, att_dst, heads, out_ch):
    f_in = x_pad.shape[1]
    hc = heads * out_ch
    eye = jnp.eye(heads, dtype=jnp.float32)
    A_src = (att_src[:, :, None] * eye[:, None, :]).reshape(hc, heads)
    A_dst = (att_dst[:, :, None] * eye[:, None, :]).reshape(hc, heads)
    return pl.pallas_call(
        _mm_att_kernel,
        grid=(NP // BLK,),
        in_specs=[
            pl.BlockSpec((BLK, f_in), lambda i: (i, 0)),
            pl.BlockSpec((f_in, hc), lambda i: (0, 0)),
            pl.BlockSpec((hc, heads), lambda i: (0, 0)),
            pl.BlockSpec((hc, heads), lambda i: (0, 0)),
        ],
        out_specs=[
            pl.BlockSpec((BLK, hc), lambda i: (i, 0)),
            pl.BlockSpec((BLK, heads), lambda i: (i, 0)),
            pl.BlockSpec((BLK, heads), lambda i: (i, 0)),
        ],
        out_shape=[
            jax.ShapeDtypeStruct((NP, hc), jnp.float32),
            jax.ShapeDtypeStruct((NP, heads), jnp.float32),
            jax.ShapeDtypeStruct((NP, heads), jnp.float32),
        ],
    )(x_pad, W, A_src, A_dst)


def _combine1_kernel(acc_ref, rep_ref, b1_ref, w2_ref, asrc_ref, adst_ref,
                     h2_ref, as_ref, ad_ref):
    msg = jnp.concatenate([acc_ref[0, :, :128], acc_ref[1, :, :128]], axis=1)
    den = jnp.concatenate([acc_ref[0, :, 128:132], acc_ref[1, :, 128:132]], axis=1)
    r = 1.0 / (den + 1e-16)
    rbig = jnp.dot(r, rep_ref[...], preferred_element_type=jnp.float32)
    h1 = msg * rbig + b1_ref[...]
    e = jnp.where(h1 > 0, h1, jnp.exp(h1) - 1.0)
    h2 = jnp.dot(e, w2_ref[...], preferred_element_type=jnp.float32)
    h2_ref[...] = h2
    as_ref[...] = jnp.dot(h2, asrc_ref[...], preferred_element_type=jnp.float32)
    ad_ref[...] = jnp.dot(h2, adst_ref[...], preferred_element_type=jnp.float32)


def _combine2_kernel(acc_ref, b2_ref, out_ref):
    num = acc_ref[0, :, :NUM_CLASSES] + acc_ref[1, :, :NUM_CLASSES]
    den = (acc_ref[0, :, NUM_CLASSES:NUM_CLASSES + 1]
           + acc_ref[1, :, NUM_CLASSES:NUM_CLASSES + 1])
    o = num / (den + 1e-16) + b2_ref[...]
    m = jnp.max(o, axis=1, keepdims=True)
    lse = jnp.log(jnp.sum(jnp.exp(o - m), axis=1, keepdims=True)) + m
    out_ref[...] = o - lse



def _bcast_lane(v, h):
    idx = jnp.full((16, 1), h, jnp.int32)
    dn = lax.GatherDimensionNumbers(
        offset_dims=(), collapsed_slice_dims=(0,), start_index_map=(0,))
    return lax.gather(v, idx, dn, slice_sizes=(1,),
                      mode=lax.GatherScatterMode.PROMISE_IN_BOUNDS)


def _lo(w):
    return plsc.bitcast(lax.shift_left(w, 16), jnp.float32)


def _hi(w):
    return plsc.bitcast(w & jnp.int32(-65536), jnp.float32)


def _zero_acc(S, acc, sid, width):
    zv = jnp.zeros((16,), jnp.float32)
    rows = S.shape[0]

    def zrow(i, c):
        for j in range(width // 16):
            S[i, pl.ds(j * 16, 16)] = zv
        return c

    lax.fori_loop(0, rows, zrow, 0)
    base = sid * _RPS
    for k in range(_RPS // rows):
        pltpu.sync_copy(S, acc.at[pl.ds(base + k * rows, rows)])
    rem = _RPS % rows
    if rem:
        pltpu.sync_copy(S.at[pl.ds(0, rem)],
                        acc.at[pl.ds(base + (_RPS // rows) * rows, rem)])


def _sc_edge_body(t_ref, d_ref, src_ref, dst_ref, out_ref, refs, *, width,
                  nb, bsz, edge_fn, core_split):
    (isb, idb, G, D, S, acc, sg, sd) = refs
    cid = lax.axis_index("c")
    sid = lax.axis_index("s")
    _zero_acc(S, acc, sid, width)
    if core_split:
        tcore = t_ref.at[cid]
        dcore = d_ref.at[cid]
        ebase = sid * (nb * bsz)
    else:
        tcore = t_ref
        dcore = d_ref
        ebase = (sid * 2 + cid) * (nb * bsz)
    plsc.subcore_barrier()
    lane = lax.iota(jnp.int32, 16)
    mask4 = lane < 8 if width == 48 else lane < 4
    mask8 = lane < 8
    if width == 48:
        mask4 = lane == 8

    def batch(it, carry):
        pltpu.sync_copy(src_ref.at[pl.ds(ebase + it * bsz, bsz)], isb)
        pltpu.sync_copy(dst_ref.at[pl.ds(ebase + it * bsz, bsz)], idb)
        cp1 = pltpu.async_copy(tcore.at[isb], G, sg)
        cp2 = pltpu.async_copy(dcore.at[idb], D, sd)
        cp1.wait()
        cp2.wait()
        lax.fori_loop(0, bsz,
                      lambda i, c: edge_fn(i, G, D, S, mask4, mask8) or c, 0)
        pltpu.sync_copy(S, acc.at[idb], add=True)
        return carry

    lax.fori_loop(0, nb, batch, 0)
    plsc.subcore_barrier()
    pltpu.sync_copy(acc.at[pl.ds(sid * _RPS, _RPS)],
                    out_ref.at[cid].at[pl.ds(sid * _RPS, _RPS)])


def _edge_l1(i, G, D, S, mask4, mask8):
    va = G[i, pl.ds(128, 16)]
    vd = D[i, pl.ds(0, 16)]
    al = va + vd
    al = jnp.maximum(al, 0.2 * al)
    exv = jnp.exp(al)
    S[i, pl.ds(128, 16)] = jnp.where(mask4, exv, 0.0)
    for h in range(4):
        exh = _bcast_lane(exv, h)
        S[i, pl.ds(h * 32, 16)] = exh * G[i, pl.ds(h * 32, 16)]
        S[i, pl.ds(h * 32 + 16, 16)] = exh * G[i, pl.ds(h * 32 + 16, 16)]


def _edge_l2(i, G, D, S, mask4, mask8):
    va = G[i, pl.ds(32, 16)]
    vd = D[i, pl.ds(0, 16)]
    al = _bcast_lane(va, 8) + _bcast_lane(vd, 0)
    al = jnp.maximum(al, 0.2 * al)
    exv = jnp.exp(al)
    S[i, pl.ds(0, 16)] = exv * G[i, pl.ds(0, 16)]
    S[i, pl.ds(16, 16)] = exv * G[i, pl.ds(16, 16)]
    c2v = jnp.where(mask8, exv * va, jnp.where(mask4, exv, 0.0))
    S[i, pl.ds(32, 16)] = c2v


def _sc_mesh():
    return plsc.VectorSubcoreMesh(core_axis_name="c", subcore_axis_name="s")


def _edge_scratch(bsz, gwords, width):
    return [
        pltpu.VMEM((bsz,), jnp.int32),
        pltpu.VMEM((bsz,), jnp.int32),
        pltpu.VMEM((bsz, gwords), jnp.float32),
        pltpu.VMEM((bsz, 16), jnp.float32),
        pltpu.VMEM((bsz, width), jnp.float32),
        pltpu.VMEM_SHARED((NP, width), jnp.float32),
        pltpu.SemaphoreType.DMA,
        pltpu.SemaphoreType.DMA,
    ]


def _sc_l1_body(t_ref, d_ref, src_ref, dst_ref, out_ref, *refs):
    _sc_edge_body(t_ref, d_ref, src_ref, dst_ref, out_ref, refs, width=144,
                  nb=_NB1, bsz=_B1, edge_fn=_edge_l1, core_split=True)


def _sc_l2_body(t_ref, d_ref, src_ref, dst_ref, out_ref, *refs):
    _sc_edge_body(t_ref, d_ref, src_ref, dst_ref, out_ref, refs, width=48,
                  nb=_NB2, bsz=_B2, edge_fn=_edge_l2, core_split=False)


def _sc_layer1(t1, d1, src, dst):
    return pl.kernel(
        _sc_l1_body,
        out_type=jax.ShapeDtypeStruct((2, NP, 144), jnp.float32),
        mesh=_sc_mesh(),
        compiler_params=pltpu.CompilerParams(use_tc_tiling_on_sc=False),
        scratch_types=_edge_scratch(_B1, 144, 144),
    )(t1, d1, src, dst)


def _sc_layer2(t2, d2, src, dst):
    return pl.kernel(
        _sc_l2_body,
        out_type=jax.ShapeDtypeStruct((2, NP, 48), jnp.float32),
        mesh=_sc_mesh(),
        compiler_params=pltpu.CompilerParams(use_tc_tiling_on_sc=False),
        scratch_types=_edge_scratch(_B2, 48, 48),
    )(t2, d2, src, dst)



def _interleave_pairs(a, b):
    return jnp.stack([a, b], axis=2).reshape(a.shape[0], -1)


def _as_words(x16):
    u = lax.bitcast_convert_type(x16, jnp.uint16).astype(jnp.uint32)
    lo = u[:, 0::2]
    hi = u[:, 1::2]
    return (lo | (hi << 16)).astype(jnp.int32)


def _pack_table1(h, a_s):
    hb = h.astype(jnp.bfloat16)
    ab = a_s.astype(jnp.bfloat16)
    blocks = []
    for hh in range(4):
        blk = hb[:, 32 * hh:32 * hh + 32]
        blocks.append(_interleave_pairs(blk[:, :16], blk[:, 16:]))
    z4 = jnp.zeros_like(ab)
    blocks.append(_interleave_pairs(ab, z4))
    zpad = jnp.zeros((h.shape[0], 24), jnp.bfloat16)
    return _as_words(jnp.concatenate(blocks + [zpad], axis=1))


def _pack_dtable(a_d):
    ab = a_d.astype(jnp.bfloat16)
    k = ab.shape[1]
    body = _interleave_pairs(ab, jnp.zeros_like(ab))
    zpad = jnp.zeros((ab.shape[0], 32 - 2 * k), jnp.bfloat16)
    return _as_words(jnp.concatenate([body, zpad], axis=1))


def _pack_table2(h2, as2):
    hb = h2.astype(jnp.bfloat16)
    ab = as2.astype(jnp.bfloat16)
    blk = hb[:, :32]
    parts = [_interleave_pairs(blk[:, :16], blk[:, 16:])]
    tail = hb[:, 32:40]
    parts.append(_interleave_pairs(tail, jnp.zeros_like(tail)))
    parts.append(_interleave_pairs(ab, jnp.zeros_like(ab)))
    parts.append(jnp.zeros((h2.shape[0], 14), jnp.bfloat16))
    return _as_words(jnp.concatenate(parts, axis=1))



def kernel(x, edge_index, W1, att_src1, att_dst1, b1, W2, att_src2, att_dst2, b2):
    x_pad = jnp.zeros((NP, F_IN), x.dtype).at[:N].set(x)
    loop = jnp.arange(N, dtype=jnp.int32)
    src = jnp.full((EP,), N, jnp.int32).at[:E].set(edge_index[0]).at[E:E + N].set(loop)
    dst = jnp.full((EP,), N, jnp.int32).at[:E].set(edge_index[1]).at[E:E + N].set(loop)

    h1, as1, ad1 = _dense_layer(x_pad, W1, att_src1, att_dst1, H1, C1)
    zn12 = jnp.zeros((NP, 12), jnp.float32)
    t1 = jnp.stack([
        jnp.concatenate([h1[:, :128], as1[:, :4], zn12], axis=1),
        jnp.concatenate([h1[:, 128:], as1[:, 4:], zn12], axis=1)])
    d1 = jnp.stack([
        jnp.concatenate([ad1[:, :4], zn12], axis=1),
        jnp.concatenate([ad1[:, 4:], zn12], axis=1)])

    acc1 = _sc_layer1(t1, d1, src, dst)

    rep = jnp.repeat(jnp.eye(H1, dtype=jnp.float32), C1, axis=1)
    A2s = att_src2.reshape(NUM_CLASSES, 1)
    A2d = att_dst2.reshape(NUM_CLASSES, 1)
    h2, as2, ad2 = pl.pallas_call(
        _combine1_kernel,
        grid=(NP // BLK,),
        in_specs=[
            pl.BlockSpec((2, BLK, 144), lambda i: (0, i, 0)),
            pl.BlockSpec((H1, H1 * C1), lambda i: (0, 0)),
            pl.BlockSpec((1, H1 * C1), lambda i: (0, 0)),
            pl.BlockSpec((H1 * C1, NUM_CLASSES), lambda i: (0, 0)),
            pl.BlockSpec((NUM_CLASSES, 1), lambda i: (0, 0)),
            pl.BlockSpec((NUM_CLASSES, 1), lambda i: (0, 0)),
        ],
        out_specs=[
            pl.BlockSpec((BLK, NUM_CLASSES), lambda i: (i, 0)),
            pl.BlockSpec((BLK, 1), lambda i: (i, 0)),
            pl.BlockSpec((BLK, 1), lambda i: (i, 0)),
        ],
        out_shape=[
            jax.ShapeDtypeStruct((NP, NUM_CLASSES), jnp.float32),
            jax.ShapeDtypeStruct((NP, 1), jnp.float32),
            jax.ShapeDtypeStruct((NP, 1), jnp.float32),
        ],
    )(acc1, rep, b1.reshape(1, -1), W2, A2s, A2d)

    t2 = jnp.concatenate([h2, as2, jnp.zeros((NP, 7), jnp.float32)], axis=1)
    d2 = jnp.concatenate([ad2, jnp.zeros((NP, 15), jnp.float32)], axis=1)
    acc2 = _sc_layer2(t2, d2, src, dst)

    out = pl.pallas_call(
        _combine2_kernel,
        grid=(NP // BLK,),
        in_specs=[
            pl.BlockSpec((2, BLK, 48), lambda i: (0, i, 0)),
            pl.BlockSpec((1, NUM_CLASSES), lambda i: (0, 0)),
        ],
        out_specs=pl.BlockSpec((BLK, NUM_CLASSES), lambda i: (i, 0)),
        out_shape=jax.ShapeDtypeStruct((NP, NUM_CLASSES), jnp.float32),
    )(acc2, b2.reshape(1, -1))
    return out[:N]

# --- scband reference (transcript-rebuilt; emitter-appended) ---
"""Pipeline reference for scband-gnn-34746285424883 (READ-ONLY COPY).

The authoritative reference and input builder live on the scoring server;
editing this copy changes nothing except your own understanding.
"""

import jax, jax.numpy as jnp
import numpy as np

N = 10000
E = 320000
F_IN = 128
H1, C1 = 8, 32
NUM_CLASSES = 40


def gat_layer(x, edge_index, W, att_src, att_dst, bias, heads, out_ch):
    n = x.shape[0]
    loop = jnp.arange(n, dtype=edge_index.dtype)
    src = jnp.concatenate([edge_index[0], loop])
    dst = jnp.concatenate([edge_index[1], loop])
    h = (x @ W).reshape(n, heads, out_ch)
    a_s = jnp.sum(h * att_src[None, :, :], axis=-1)
    a_d = jnp.sum(h * att_dst[None, :, :], axis=-1)
    alpha = jax.nn.leaky_relu(a_s[src] + a_d[dst], negative_slope=0.2)
    amax = jax.ops.segment_max(alpha, dst, num_segments=n)
    ex = jnp.exp(alpha - amax[dst])
    denom = jax.ops.segment_sum(ex, dst, num_segments=n)
    coef = ex / (denom[dst] + 1e-16)
    msg = h[src] * coef[:, :, None]
    out = jax.ops.segment_sum(msg, dst, num_segments=n)
    return out.reshape(n, heads * out_ch) + bias


def setup_inputs(seed: int = 0):
    key = jax.random.key(seed)
    ks = jax.random.split(key, 12)
    x = jax.random.normal(ks[0], (N, F_IN), dtype=jnp.float32)
    edge_index = jax.random.randint(ks[1], (2, E), 0, N, dtype=jnp.int32)
    W1 = jax.random.normal(ks[2], (F_IN, H1 * C1), dtype=jnp.float32) * 0.1
    att_src1 = jax.random.normal(ks[3], (H1, C1), dtype=jnp.float32) * 0.1
    att_dst1 = jax.random.normal(ks[4], (H1, C1), dtype=jnp.float32) * 0.1
    b1 = jnp.zeros((H1 * C1,), dtype=jnp.float32)
    W2 = jax.random.normal(ks[5], (H1 * C1, NUM_CLASSES), dtype=jnp.float32) * 0.1
    att_src2 = jax.random.normal(ks[6], (1, NUM_CLASSES), dtype=jnp.float32) * 0.1
    att_dst2 = jax.random.normal(ks[7], (1, NUM_CLASSES), dtype=jnp.float32) * 0.1
    b2 = jnp.zeros((NUM_CLASSES,), dtype=jnp.float32)
    return {"x": x, "edge_index": edge_index, "W1": W1, "att_src1": att_src1, "att_dst1": att_dst1, "b1": b1, "W2": W2, "att_src2": att_src2, "att_dst2": att_dst2, "b2": b2}


def reference(x, edge_index, W1, att_src1, att_dst1, b1, W2, att_src2, att_dst2, b2):
    h = gat_layer(x, edge_index, W1, att_src1, att_dst1, b1, H1, C1)
    h = jax.nn.elu(h)
    o = gat_layer(h, edge_index, W2, att_src2, att_dst2, b2, 1, NUM_CLASSES)
    return jax.nn.log_softmax(o, axis=1)

if __name__ == "__main__":
    import jax
    _d = setup_inputs()
    print(jax.jit(kernel)(*tuple(_d.values())))

</pallas_src>

<mosaic_0001>
#map = affine_map<(d0, d1) -> (0, 0, 0)>
#map1 = affine_map<(d0, d1) -> (0)>
module attributes {stable_mosaic.version = 14 : i64} {
  func.func @_sc_l1_body(%arg0: i32, %arg1: i32, %arg2: memref<2x10112x144xf32, #tpu.memory_space<hbm>>, %arg3: memref<2x10112x16xf32, #tpu.memory_space<hbm>>, %arg4: memref<335872xi32, #tpu.memory_space<hbm>>, %arg5: memref<335872xi32, #tpu.memory_space<hbm>>, %arg6: memref<2x10112x144xf32, #tpu.memory_space<hbm>>, %arg7: memref<128xi32, #tpu.memory_space<vmem>>, %arg8: memref<128xi32, #tpu.memory_space<vmem>>, %arg9: memref<128x144xf32, #tpu.memory_space<vmem>>, %arg10: memref<128x16xf32, #tpu.memory_space<vmem>>, %arg11: memref<128x144xf32, #tpu.memory_space<vmem>>, %arg12: memref<10112x144xf32, #tpu.memory_space<vmem_shared>>, %arg13: memref<!tpu.dma_semaphore, #tpu.memory_space<semaphore_mem>>, %arg14: memref<!tpu.dma_semaphore, #tpu.memory_space<semaphore_mem>>) attributes {dimension_semantics = [#tpu.dimension_semantics<core_parallel>, #tpu.dimension_semantics<subcore_parallel>], iteration_bounds = array<i64: 2, 16>, scalar_prefetch = 0 : i64, scratch_operands = 8 : i64, tpu.core_type = #tpu.core_type<sc_vector_subcore>, window_params = [{transform_indices = #map}, {transform_indices = #map}, {transform_indices = #map1}, {transform_indices = #map1}, {transform_indices = #map}]} {
    %broadcast_in_dim3A = arith.constant 0.000000e+00 : f32
    %broadcast_in_dim3A_0 = vector.broadcast %broadcast_in_dim3A : f32 to vector<16xf32>
    %scan3A = arith.constant 0 : i32
    %scan3A_1 = arith.constant 0 : i32
    %scan3A_2 = arith.constant 128 : i32
    %scan3A_3 = arith.addi %scan3A_1, %scan3A_2 : i32
    %scan3A_4 = arith.constant 1 : i32
    scf.for %scan3A_34 = %scan3A_1 to %scan3A_3 step %scan3A_4  : i32 {
      %swap3A = arith.index_cast %scan3A_34 : i32 to index
      %swap3A_35 = arith.constant 0 : index
      %swap3A_36 = tpu.vector_load %arg11[%swap3A, %swap3A_35] {strides = array<i32>} : memref<128x144xf32, #tpu.memory_space<vmem>>, vector<1x16xf32>,
      %swap3A_37 = vector.shape_cast %swap3A_36 : vector<1x16xf32> to vector<16xf32>
      %swap3A_38 = vector.shape_cast %broadcast_in_dim3A_0 : vector<16xf32> to vector<1x16xf32>
      tpu.vector_store %arg11[%swap3A, %swap3A_35], %swap3A_38 {strides = array<i32>} : memref<128x144xf32, #tpu.memory_space<vmem>>, vector<1x16xf32>,
      %swap3A_39 = arith.index_cast %scan3A_34 : i32 to index
      %swap3A_40 = arith.constant 16 : index
      %swap3A_41 = tpu.vector_load %arg11[%swap3A_39, %swap3A_40] {strides = array<i32>} : memref<128x144xf32, #tpu.memory_space<vmem>>, vector<1x16xf32>,
      %swap3A_42 = vector.shape_cast %swap3A_41 : vector<1x16xf32> to vector<16xf32>
      %swap3A_43 = vector.shape_cast %broadcast_in_dim3A_0 : vector<16xf32> to vector<1x16xf32>
      tpu.vector_store %arg11[%swap3A_39, %swap3A_40], %swap3A_43 {strides = array<i32>} : memref<128x144xf32, #tpu.memory_space<vmem>>, vector<1x16xf32>,
      %swap3A_44 = arith.index_cast %scan3A_34 : i32 to index
      %swap3A_45 = arith.constant 32 : index
      %swap3A_46 = tpu.vector_load %arg11[%swap3A_44, %swap3A_45] {strides = array<i32>} : memref<128x144xf32, #tpu.memory_space<vmem>>, vector<1x16xf32>,
      %swap3A_47 = vector.shape_cast %swap3A_46 : vector<1x16xf32> to vector<16xf32>
      %swap3A_48 = vector.shape_cast %broadcast_in_dim3A_0 : vector<16xf32> to vector<1x16xf32>
      tpu.vector_store %arg11[%swap3A_44, %swap3A_45], %swap3A_48 {strides = array<i32>} : memref<128x144xf32, #tpu.memory_space<vmem>>, vector<1x16xf32>,
      %swap3A_49 = arith.index_cast %scan3A_34 : i32 to index
      %swap3A_50 = arith.constant 48 : index
      %swap3A_51 = tpu.vector_load %arg11[%swap3A_49, %swap3A_50] {strides = array<i32>} : memref<128x144xf32, #tpu.memory_space<vmem>>, vector<1x16xf32>,
      %swap3A_52 = vector.shape_cast %swap3A_51 : vector<1x16xf32> to vector<16xf32>
      %swap3A_53 = vector.shape_cast %broadcast_in_dim3A_0 : vector<16xf32> to vector<1x16xf32>
      tpu.vector_store %arg11[%swap3A_49, %swap3A_50], %swap3A_53 {strides = array<i32>} : memref<128x144xf32, #tpu.memory_space<vmem>>, vector<1x16xf32>,
      %swap3A_54 = arith.index_cast %scan3A_34 : i32 to index
      %swap3A_55 = arith.constant 64 : index
      %swap3A_56 = tpu.vector_load %arg11[%swap3A_54, %swap3A_55] {strides = array<i32>} : memref<128x144xf32, #tpu.memory_space<vmem>>, vector<1x16xf32>,
      %swap3A_57 = vector.shape_cast %swap3A_56 : vector<1x16xf32> to vector<16xf32>
      %swap3A_58 = vector.shape_cast %broadcast_in_dim3A_0 : vector<16xf32> to vector<1x16xf32>
      tpu.vector_store %arg11[%swap3A_54, %swap3A_55], %swap3A_58 {strides = array<i32>} : memref<128x144xf32, #tpu.memory_space<vmem>>, vector<1x16xf32>,
      %swap3A_59 = arith.index_cast %scan3A_34 : i32 to index
      %swap3A_60 = arith.constant 80 : index
      %swap3A_61 = tpu.vector_load %arg11[%swap3A_59, %swap3A_60] {strides = array<i32>} : memref<128x144xf32, #tpu.memory_space<vmem>>, vector<1x16xf32>,
      %swap3A_62 = vector.shape_cast %swap3A_61 : vector<1x16xf32> to vector<16xf32>
      %swap3A_63 = vector.shape_cast %broadcast_in_dim3A_0 : vector<16xf32> to vector<1x16xf32>
      tpu.vector_store %arg11[%swap3A_59, %swap3A_60], %swap3A_63 {strides = array<i32>} : memref<128x144xf32, #tpu.memory_space<vmem>>, vector<1x16xf32>,
      %swap3A_64 = arith.index_cast %scan3A_34 : i32 to index
      %swap3A_65 = arith.constant 96 : index
      %swap3A_66 = tpu.vector_load %arg11[%swap3A_64, %swap3A_65] {strides = array<i32>} : memref<128x144xf32, #tpu.memory_space<vmem>>, vector<1x16xf32>,
      %swap3A_67 = vector.shape_cast %swap3A_66 : vector<1x16xf32> to vector<16xf32>
      %swap3A_68 = vector.shape_cast %broadcast_in_dim3A_0 : vector<16xf32> to vector<1x16xf32>
      tpu.vector_store %arg11[%swap3A_64, %swap3A_65], %swap3A_68 {strides = array<i32>} : memref<128x144xf32, #tpu.memory_space<vmem>>, vector<1x16xf32>,
      %swap3A_69 = arith.index_cast %scan3A_34 : i32 to index
      %swap3A_70 = arith.constant 112 : index
      %swap3A_71 = tpu.vector_load %arg11[%swap3A_69, %swap3A_70] {strides = array<i32>} : memref<128x144xf32, #tpu.memory_space<vmem>>, vector<1x16xf32>,
      %swap3A_72 = vector.shape_cast %swap3A_71 : vector<1x16xf32> to vector<16xf32>
      %swap3A_73 = vector.shape_cast %broadcast_in_dim3A_0 : vector<16xf32> to vector<1x16xf32>
      tpu.vector_store %arg11[%swap3A_69, %swap3A_70], %swap3A_73 {strides = array<i32>} : memref<128x144xf32, #tpu.memory_space<vmem>>, vector<1x16xf32>,
      %swap3A_74 = arith.index_cast %scan3A_34 : i32 to index
      %swap3A_75 = arith.constant 128 : index
      %swap3A_76 = tpu.vector_load %arg11[%swap3A_74, %swap3A_75] {strides = array<i32>} : memref<128x144xf32, #tpu.memory_space<vmem>>, vector<1x16xf32>,
      %swap3A_77 = vector.shape_cast %swap3A_76 : vector<1x16xf32> to vector<16xf32>
      %swap3A_78 = vector.shape_cast %broadcast_in_dim3A_0 : vector<16xf32> to vector<1x16xf32>
      tpu.vector_store %arg11[%swap3A_74, %swap3A_75], %swap3A_78 {strides = array<i32>} : memref<128x144xf32, #tpu.memory_space<vmem>>, vector<1x16xf32>,
    }
    %scan3A_5 = arith.constant 128 : i32
    %mul3A = arith.constant 632 : i32
    %mul3A_6 = arith.muli %arg1, %mul3A : i32
    %add3A = arith.constant 0 : i32
    %add3A_7 = arith.addi %mul3A_6, %add3A : i32
    "tpu.region"() ({
      %run_scoped3A = tpu.sem_alloc : memref<!tpu.dma_semaphore, #tpu.memory_space<semaphore_mem>>
      %dma_start3A = arith.constant 0 : i32
      %dma_start3A_34 = tpu.memref_slice %arg12[%add3A_7, %dma_start3A] : memref<10112x144xf32, #tpu.memory_space<vmem_shared>> -> memref<128x144xf32, #tpu.memory_space<vmem_shared>>
      %dma_start3A_35 = arith.constant 0 : i32
      %dma_start3A_36 = tpu.memref_slice %arg12[%add3A_7, %dma_start3A_35] : memref<10112x144xf32, #tpu.memory_space<vmem_shared>> -> memref<128x144xf32, #tpu.memory_space<vmem_shared>>
      tpu.enqueue_dma source(%arg11 : memref<128x144xf32, #tpu.memory_space<vmem>>) target(%dma_start3A_36 : memref<128x144xf32, #tpu.memory_space<vmem_shared>>) target_semaphore(%run_scoped3A : memref<!tpu.dma_semaphore, #tpu.memory_space<semaphore_mem>>)
      %dma_wait3A = arith.constant 0 : i32
      %dma_wait3A_37 = tpu.memref_slice %arg12[%add3A_7, %dma_wait3A] : memref<10112x144xf32, #tpu.memory_space<vmem_shared>> -> memref<128x144xf32, #tpu.memory_space<vmem_shared>>
      %dma_wait3A_38 = arith.constant 0 : i32
      %dma_wait3A_39 = tpu.memref_slice %arg12[%add3A_7, %dma_wait3A_38] : memref<10112x144xf32, #tpu.memory_space<vmem_shared>> -> memref<128x144xf32, #tpu.memory_space<vmem_shared>>
      tpu.wait_dma2 semaphore(%run_scoped3A : memref<!tpu.dma_semaphore, #tpu.memory_space<semaphore_mem>>) src(%arg11 : memref<128x144xf32, #tpu.memory_space<vmem>>) dst(%dma_wait3A_39 : memref<128x144xf32, #tpu.memory_space<vmem_shared>>)
      tpu.yield
    }) : () -> ()
    %add3A_8 = arith.constant 128 : i32
    %add3A_9 = arith.addi %mul3A_6, %add3A_8 : i32
    "tpu.region"() ({
      %run_scoped3A = tpu.sem_alloc : memref<!tpu.dma_semaphore, #tpu.memory_space<semaphore_mem>>
      %dma_start3A = arith.constant 0 : i32
      %dma_start3A_34 = tpu.memref_slice %arg12[%add3A_9, %dma_start3A] : memref<10112x144xf32, #tpu.memory_space<vmem_shared>> -> memref<128x144xf32, #tpu.memory_space<vmem_shared>>
      %dma_start3A_35 = arith.constant 0 : i32
      %dma_start3A_36 = tpu.memref_slice %arg12[%add3A_9, %dma_start3A_35] : memref<10112x144xf32, #tpu.memory_space<vmem_shared>> -> memref<128x144xf32, #tpu.memory_space<vmem_shared>>
      tpu.enqueue_dma source(%arg11 : memref<128x144xf32, #tpu.memory_space<vmem>>) target(%dma_start3A_36 : memref<128x144xf32, #tpu.memory_space<vmem_shared>>) target_semaphore(%run_scoped3A : memref<!tpu.dma_semaphore, #tpu.memory_space<semaphore_mem>>)
      %dma_wait3A = arith.constant 0 : i32
      %dma_wait3A_37 = tpu.memref_slice %arg12[%add3A_9, %dma_wait3A] : memref<10112x144xf32, #tpu.memory_space<vmem_shared>> -> memref<128x144xf32, #tpu.memory_space<vmem_shared>>
      %dma_wait3A_38 = arith.constant 0 : i32
      %dma_wait3A_39 = tpu.memref_slice %arg12[%add3A_9, %dma_wait3A_38] : memref<10112x144xf32, #tpu.memory_space<vmem_shared>> -> memref<128x144xf32, #tpu.memory_space<vmem_shared>>
      tpu.wait_dma2 semaphore(%run_scoped3A : memref<!tpu.dma_semaphore, #tpu.memory_space<semaphore_mem>>) src(%arg11 : memref<128x144xf32, #tpu.memory_space<vmem>>) dst(%dma_wait3A_39 : memref<128x144xf32, #tpu.memory_space<vmem_shared>>)
      tpu.yield
    }) : () -> ()
    %add3A_10 = arith.constant 256 : i32
    %add3A_11 = arith.addi %mul3A_6, %add3A_10 : i32
    "tpu.region"() ({
      %run_scoped3A = tpu.sem_alloc : memref<!tpu.dma_semaphore, #tpu.memory_space<semaphore_mem>>
      %dma_start3A = arith.constant 0 : i32
      %dma_start3A_34 = tpu.memref_slice %arg12[%add3A_11, %dma_start3A] : memref<10112x144xf32, #tpu.memory_space<vmem_shared>> -> memref<128x144xf32, #tpu.memory_space<vmem_shared>>
      %dma_start3A_35 = arith.constant 0 : i32
      %dma_start3A_36 = tpu.memref_slice %arg12[%add3A_11, %dma_start3A_35] : memref<10112x144xf32, #tpu.memory_space<vmem_shared>> -> memref<128x144xf32, #tpu.memory_space<vmem_shared>>
      tpu.enqueue_dma source(%arg11 : memref<128x144xf32, #tpu.memory_space<vmem>>) target(%dma_start3A_36 : memref<128x144xf32, #tpu.memory_space<vmem_shared>>) target_semaphore(%run_scoped3A : memref<!tpu.dma_semaphore, #tpu.memory_space<semaphore_mem>>)
      %dma_wait3A = arith.constant 0 : i32
      %dma_wait3A_37 = tpu.memref_slice %arg12[%add3A_11, %dma_wait3A] : memref<10112x144xf32, #tpu.memory_space<vmem_shared>> -> memref<128x144xf32, #tpu.memory_space<vmem_shared>>
      %dma_wait3A_38 = arith.constant 0 : i32
      %dma_wait3A_39 = tpu.memref_slice %arg12[%add3A_11, %dma_wait3A_38] : memref<10112x144xf32, #tpu.memory_space<vmem_shared>> -> memref<128x144xf32, #tpu.memory_space<vmem_shared>>
      tpu.wait_dma2 semaphore(%run_scoped3A : memref<!tpu.dma_semaphore, #tpu.memory_space<semaphore_mem>>) src(%arg11 : memref<128x144xf32, #tpu.memory_space<vmem>>) dst(%dma_wait3A_39 : memref<128x144xf32, #tpu.memory_space<vmem_shared>>)
      tpu.yield
    }) : () -> ()
    %add3A_12 = arith.constant 384 : i32
    %add3A_13 = arith.addi %mul3A_6, %add3A_12 : i32
    "tpu.region"() ({
      %run_scoped3A = tpu.sem_alloc : memref<!tpu.dma_semaphore, #tpu.memory_space<semaphore_mem>>
      %dma_start3A = arith.constant 0 : i32
      %dma_start3A_34 = tpu.memref_slice %arg12[%add3A_13, %dma_start3A] : memref<10112x144xf32, #tpu.memory_space<vmem_shared>> -> memref<128x144xf32, #tpu.memory_space<vmem_shared>>
      %dma_start3A_35 = arith.constant 0 : i32
      %dma_start3A_36 = tpu.memref_slice %arg12[%add3A_13, %dma_start3A_35] : memref<10112x144xf32, #tpu.memory_space<vmem_shared>> -> memref<128x144xf32, #tpu.memory_space<vmem_shared>>
      tpu.enqueue_dma source(%arg11 : memref<128x144xf32, #tpu.memory_space<vmem>>) target(%dma_start3A_36 : memref<128x144xf32, #tpu.memory_space<vmem_shared>>) target_semaphore(%run_scoped3A : memref<!tpu.dma_semaphore, #tpu.memory_space<semaphore_mem>>)
      %dma_wait3A = arith.constant 0 : i32
      %dma_wait3A_37 = tpu.memref_slice %arg12[%add3A_13, %dma_wait3A] : memref<10112x144xf32, #tpu.memory_space<vmem_shared>> -> memref<128x144xf32, #tpu.memory_space<vmem_shared>>
      %dma_wait3A_38 = arith.constant 0 : i32
      %dma_wait3A_39 = tpu.memref_slice %arg12[%add3A_13, %dma_wait3A_38] : memref<10112x144xf32, #tpu.memory_space<vmem_shared>> -> memref<128x144xf32, #tpu.memory_space<vmem_shared>>
      tpu.wait_dma2 semaphore(%run_scoped3A : memref<!tpu.dma_semaphore, #tpu.memory_space<semaphore_mem>>) src(%arg11 : memref<128x144xf32, #tpu.memory_space<vmem>>) dst(%dma_wait3A_39 : memref<128x144xf32, #tpu.memory_space<vmem_shared>>)
      tpu.yield
    }) : () -> ()
    %add3A_14 = arith.constant 512 : i32
    %add3A_15 = arith.addi %mul3A_6, %add3A_14 : i32
    "tpu.region"() ({
      %run_scoped3A = tpu.sem_alloc : memref<!tpu.dma_semaphore, #tpu.memory_space<semaphore_mem>>
      %dma_start3A = arith.constant 0 : i32
      %dma_start3A_34 = arith.constant 0 : i32
      %dma_start3A_35 = tpu.memref_slice %arg11[%dma_start3A, %dma_start3A_34] : memref<128x144xf32, #tpu.memory_space<vmem>> -> memref<120x144xf32, #tpu.memory_space<vmem>>
      %dma_start3A_36 = arith.constant 0 : i32
      %dma_start3A_37 = tpu.memref_slice %arg12[%add3A_15, %dma_start3A_36] : memref<10112x144xf32, #tpu.memory_space<vmem_shared>> -> memref<120x144xf32, #tpu.memory_space<vmem_shared>>
      %dma_start3A_38 = arith.constant 0 : i32
      %dma_start3A_39 = tpu.memref_slice %arg12[%add3A_15, %dma_start3A_38] : memref<10112x144xf32, #tpu.memory_space<vmem_shared>> -> memref<120x144xf32, #tpu.memory_space<vmem_shared>>
      %dma_start3A_40 = arith.constant 0 : i32
      %dma_start3A_41 = arith.constant 0 : i32
      %dma_start3A_42 = tpu.memref_slice %arg11[%dma_start3A_40, %dma_start3A_41] : memref<128x144xf32, #tpu.memory_space<vmem>> -> memref<120x144xf32, #tpu.memory_space<vmem>>
      tpu.enqueue_dma source(%dma_start3A_42 : memref<120x144xf32, #tpu.memory_space<vmem>>) target(%dma_start3A_39 : memref<120x144xf32, #tpu.memory_space<vmem_shared>>) target_semaphore(%run_scoped3A : memref<!tpu.dma_semaphore, #tpu.memory_space<semaphore_mem>>)
      %dma_wait3A = arith.constant 0 : i32
      %dma_wait3A_43 = arith.constant 0 : i32
      %dma_wait3A_44 = tpu.memref_slice %arg11[%dma_wait3A, %dma_wait3A_43] : memref<128x144xf32, #tpu.memory_space<vmem>> -> memref<120x144xf32, #tpu.memory_space<vmem>>
      %dma_wait3A_45 = arith.constant 0 : i32
      %dma_wait3A_46 = tpu.memref_slice %arg12[%add3A_15, %dma_wait3A_45] : memref<10112x144xf32, #tpu.memory_space<vmem_shared>> -> memref<120x144xf32, #tpu.memory_space<vmem_shared>>
      %dma_wait3A_47 = arith.constant 0 : i32
      %dma_wait3A_48 = tpu.memref_slice %arg12[%add3A_15, %dma_wait3A_47] : memref<10112x144xf32, #tpu.memory_space<vmem_shared>> -> memref<120x144xf32, #tpu.memory_space<vmem_shared>>
      %dma_wait3A_49 = arith.constant 0 : i32
      %dma_wait3A_50 = arith.constant 0 : i32
      %dma_wait3A_51 = tpu.memref_slice %arg11[%dma_wait3A_49, %dma_wait3A_50] : memref<128x144xf32, #tpu.memory_space<vmem>> -> memref<120x144xf32, #tpu.memory_space<vmem>>
      tpu.wait_dma2 semaphore(%run_scoped3A : memref<!tpu.dma_semaphore, #tpu.memory_space<semaphore_mem>>) src(%dma_wait3A_51 : memref<120x144xf32, #tpu.memory_space<vmem>>) dst(%dma_wait3A_48 : memref<120x144xf32, #tpu.memory_space<vmem_shared>>)
      tpu.yield
    }) : () -> ()
    %mul3A_16 = arith.constant 20992 : i32
    %mul3A_17 = arith.muli %arg1, %mul3A_16 : i32
    %barrier3A = arith.constant 0 : index
    tpu.barrier barrier_id(%barrier3A)
    %iota3A = tpu.iota {dimensions = array<i32: 0>} : vector<16xi32>
    %lt3A = arith.constant 4 : i32
    %lt3A_18 = vector.broadcast %lt3A : i32 to vector<16xi32>
    %lt3A_19 = arith.cmpi slt, %iota3A, %lt3A_18 : vector<16xi32>
    %lt3A_20 = arith.constant 8 : i32
    %lt3A_21 = vector.broadcast %lt3A_20 : i32 to vector<16xi32>
    %lt3A_22 = arith.cmpi slt, %iota3A, %lt3A_21 : vector<16xi32>
    %scan3A_23 = arith.constant 0 : i32
    %scan3A_24 = arith.constant 0 : i32
    %scan3A_25 = arith.constant 164 : i32
    %scan3A_26 = arith.addi %scan3A_24, %scan3A_25 : i32
    %scan3A_27 = arith.constant 1 : i32
    scf.for %scan3A_34 = %scan3A_24 to %scan3A_26 step %scan3A_27  : i32 {
      %mul3A_35 = arith.constant 128 : i32
      %mul3A_36 = arith.muli %scan3A_34, %mul3A_35 : i32
      %add3A_37 = arith.addi %mul3A_17, %mul3A_36 : i32
      "tpu.region"() ({
        %run_scoped3A = tpu.sem_alloc : memref<!tpu.dma_semaphore, #tpu.memory_space<semaphore_mem>>
        %dma_start3A_73 = tpu.memref_slice %arg4[%add3A_37] : memref<335872xi32, #tpu.memory_space<hbm>> -> memref<128xi32, #tpu.memory_space<hbm>>
        %dma_start3A_74 = tpu.memref_slice %arg4[%add3A_37] : memref<335872xi32, #tpu.memory_space<hbm>> -> memref<128xi32, #tpu.memory_space<hbm>>
        tpu.enqueue_dma source(%dma_start3A_74 : memref<128xi32, #tpu.memory_space<hbm>>) target(%arg7 : memref<128xi32, #tpu.memory_space<vmem>>) target_semaphore(%run_scoped3A : memref<!tpu.dma_semaphore, #tpu.memory_space<semaphore_mem>>)
        %dma_wait3A_75 = tpu.memref_slice %arg4[%add3A_37] : memref<335872xi32, #tpu.memory_space<hbm>> -> memref<128xi32, #tpu.memory_space<hbm>>
        %dma_wait3A_76 = tpu.memref_slice %arg4[%add3A_37] : memref<335872xi32, #tpu.memory_space<hbm>> -> memref<128xi32, #tpu.memory_space<hbm>>
        tpu.wait_dma2 semaphore(%run_scoped3A : memref<!tpu.dma_semaphore, #tpu.memory_space<semaphore_mem>>) src(%dma_wait3A_76 : memref<128xi32, #tpu.memory_space<hbm>>) dst(%arg7 : memref<128xi32, #tpu.memory_space<vmem>>)
        tpu.yield
      }) : () -> ()
      %mul3A_38 = arith.constant 128 : i32
      %mul3A_39 = arith.muli %scan3A_34, %mul3A_38 : i32
      %add3A_40 = arith.addi %mul3A_17, %mul3A_39 : i32
      "tpu.region"() ({
        %run_scoped3A = tpu.sem_alloc : memref<!tpu.dma_semaphore, #tpu.memory_space<semaphore_mem>>
        %dma_start3A_73 = tpu.memref_slice %arg5[%add3A_40] : memref<335872xi32, #tpu.memory_space<hbm>> -> memref<128xi32, #tpu.memory_space<hbm>>
        %dma_start3A_74 = tpu.memref_slice %arg5[%add3A_40] : memref<335872xi32, #tpu.memory_space<hbm>> -> memref<128xi32, #tpu.memory_space<hbm>>
        tpu.enqueue_dma source(%dma_start3A_74 : memref<128xi32, #tpu.memory_space<hbm>>) target(%arg8 : memref<128xi32, #tpu.memory_space<vmem>>) target_semaphore(%run_scoped3A : memref<!tpu.dma_semaphore, #tpu.memory_space<semaphore_mem>>)
        %dma_wait3A_75 = tpu.memref_slice %arg5[%add3A_40] : memref<335872xi32, #tpu.memory_space<hbm>> -> memref<128xi32, #tpu.memory_space<hbm>>
        %dma_wait3A_76 = tpu.memref_slice %arg5[%add3A_40] : memref<335872xi32, #tpu.memory_space<hbm>> -> memref<128xi32, #tpu.memory_space<hbm>>
        tpu.wait_dma2 semaphore(%run_scoped3A : memref<!tpu.dma_semaphore, #tpu.memory_space<semaphore_mem>>) src(%dma_wait3A_76 : memref<128xi32, #tpu.memory_space<hbm>>) dst(%arg8 : memref<128xi32, #tpu.memory_space<vmem>>)
        tpu.yield
      }) : () -> ()
      %dma_start3A = arith.constant 0 : i32
      %dma_start3A_41 = arith.constant 0 : i32
      %dma_start3A_42 = tpu.memref_slice %arg2[%arg0, %dma_start3A, %dma_start3A_41] : memref<2x10112x144xf32, #tpu.memory_space<hbm>> -> memref<1x10112x144xf32, #tpu.memory_space<hbm>>
      %dma_start3A_43 = tpu.memref_squeeze %dma_start3A_42 : memref<1x10112x144xf32, #tpu.memory_space<hbm>> -> memref<10112x144xf32, #tpu.memory_space<hbm>>
      %dma_start3A_44 = arith.constant 0 : i32
      %dma_start3A_45 = arith.constant 0 : i32
      %dma_start3A_46 = tpu.memref_slice %dma_start3A_43[%dma_start3A_44, %dma_start3A_45] : memref<10112x144xf32, #tpu.memory_space<hbm>> -> memref<10112x144xf32, #tpu.memory_space<hbm>>
      tpu.enqueue_indirect_dma source(%dma_start3A_46 : memref<10112x144xf32, #tpu.memory_space<hbm>>) target(%arg9 : memref<128x144xf32, #tpu.memory_space<vmem>>) offsets(%arg7 : memref<128xi32, #tpu.memory_space<vmem>>) semaphore(%arg13 : memref<!tpu.dma_semaphore, #tpu.memory_space<semaphore_mem>>)
      %dma_start3A_47 = arith.constant 0 : i32
      %dma_start3A_48 = arith.constant 0 : i32
      %dma_start3A_49 = tpu.memref_slice %arg3[%arg0, %dma_start3A_47, %dma_start3A_48] : memref<2x10112x16xf32, #tpu.memory_space<hbm>> -> memref<1x10112x16xf32, #tpu.memory_space<hbm>>
      %dma_start3A_50 = tpu.memref_squeeze %dma_start3A_49 : memref<1x10112x16xf32, #tpu.memory_space<hbm>> -> memref<10112x16xf32, #tpu.memory_space<hbm>>
      %dma_start3A_51 = arith.constant 0 : i32
      %dma_start3A_52 = arith.constant 0 : i32
      %dma_start3A_53 = tpu.memref_slice %dma_start3A_50[%dma_start3A_51, %dma_start3A_52] : memref<10112x16xf32, #tpu.memory_space<hbm>> -> memref<10112x16xf32, #tpu.memory_space<hbm>>
      tpu.enqueue_indirect_dma source(%dma_start3A_53 : memref<10112x16xf32, #tpu.memory_space<hbm>>) target(%arg10 : memref<128x16xf32, #tpu.memory_space<vmem>>) offsets(%arg8 : memref<128xi32, #tpu.memory_space<vmem>>) semaphore(%arg14 : memref<!tpu.dma_semaphore, #tpu.memory_space<semaphore_mem>>)
      %dma_wait3A = arith.constant 0 : i32
      %dma_wait3A_54 = arith.constant 0 : i32
      %dma_wait3A_55 = tpu.memref_slice %arg2[%arg0, %dma_wait3A, %dma_wait3A_54] : memref<2x10112x144xf32, #tpu.memory_space<hbm>> -> memref<1x10112x144xf32, #tpu.memory_space<hbm>>
      %dma_wait3A_56 = tpu.memref_squeeze %dma_wait3A_55 : memref<1x10112x144xf32, #tpu.memory_space<hbm>> -> memref<10112x144xf32, #tpu.memory_space<hbm>>
      %dma_wait3A_57 = arith.constant 0 : i32
      %dma_wait3A_58 = arith.constant 0 : i32
      %dma_wait3A_59 = tpu.memref_slice %dma_wait3A_56[%dma_wait3A_57, %dma_wait3A_58] : memref<10112x144xf32, #tpu.memory_space<hbm>> -> memref<10112x144xf32, #tpu.memory_space<hbm>>
      tpu.wait_indirect_dma semaphore(%arg13 : memref<!tpu.dma_semaphore, #tpu.memory_space<semaphore_mem>>) src(%dma_wait3A_59 : memref<10112x144xf32, #tpu.memory_space<hbm>>) dst(%arg9 : memref<128x144xf32, #tpu.memory_space<vmem>>)
      %dma_wait3A_60 = arith.constant 0 : i32
      %dma_wait3A_61 = arith.constant 0 : i32
      %dma_wait3A_62 = tpu.memref_slice %arg3[%arg0, %dma_wait3A_60, %dma_wait3A_61] : memref<2x10112x16xf32, #tpu.memory_space<hbm>> -> memref<1x10112x16xf32, #tpu.memory_space<hbm>>
      %dma_wait3A_63 = tpu.memref_squeeze %dma_wait3A_62 : memref<1x10112x16xf32, #tpu.memory_space<hbm>> -> memref<10112x16xf32, #tpu.memory_space<hbm>>
      %dma_wait3A_64 = arith.constant 0 : i32
      %dma_wait3A_65 = arith.constant 0 : i32
      %dma_wait3A_66 = tpu.memref_slice %dma_wait3A_63[%dma_wait3A_64, %dma_wait3A_65] : memref<10112x16xf32, #tpu.memory_space<hbm>> -> memref<10112x16xf32, #tpu.memory_space<hbm>>
      tpu.wait_indirect_dma semaphore(%arg14 : memref<!tpu.dma_semaphore, #tpu.memory_space<semaphore_mem>>) src(%dma_wait3A_66 : memref<10112x16xf32, #tpu.memory_space<hbm>>) dst(%arg10 : memref<128x16xf32, #tpu.memory_space<vmem>>)
      %scan3A_67 = arith.constant 0 : i32
      %scan3A_68 = arith.constant 0 : i32
      %scan3A_69 = arith.constant 128 : i32
      %scan3A_70 = arith.addi %scan3A_68, %scan3A_69 : i32
      %scan3A_71 = arith.constant 1 : i32
      scf.for %scan3A_73 = %scan3A_68 to %scan3A_70 step %scan3A_71  : i32 {
        %get3A = arith.index_cast %scan3A_73 : i32 to index
        %get3A_74 = arith.constant 128 : index
        %get3A_75 = tpu.vector_load %arg9[%get3A, %get3A_74] {strides = array<i32>} : memref<128x144xf32, #tpu.memory_space<vmem>>, vector<1x16xf32>,
        %get3A_76 = vector.shape_cast %get3A_75 : vector<1x16xf32> to vector<16xf32>
        %get3A_77 = arith.index_cast %scan3A_73 : i32 to index
        %get3A_78 = arith.constant 0 : index
        %get3A_79 = tpu.vector_load %arg10[%get3A_77, %get3A_78] {strides = array<i32>} : memref<128x16xf32, #tpu.memory_space<vmem>>, vector<1x16xf32>,
        %get3A_80 = vector.shape_cast %get3A_79 : vector<1x16xf32> to vector<16xf32>
        %add3A_81 = arith.addf %get3A_76, %get3A_80 : vector<16xf32>
        %mul3A_82 = arith.constant 2.000000e-01 : f32
        %mul3A_83 = vector.broadcast %mul3A_82 : f32 to vector<16xf32>
        %mul3A_84 = arith.mulf %mul3A_83, %add3A_81 : vector<16xf32>
        %max3A = arith.maximumf %add3A_81, %mul3A_84 : vector<16xf32>
        %exp3A = math.exp %max3A : vector<16xf32>
        %jit3A = arith.constant 0.000000e+00 : f32
        %broadcast_in_dim3A_85 = vector.broadcast %jit3A : f32 to vector<16xf32>
        %select_n3A = arith.select %lt3A_19, %exp3A, %broadcast_in_dim3A_85 : vector<16xi1>, vector<16xf32>
        %swap3A = arith.index_cast %scan3A_73 : i32 to index
        %swap3A_86 = arith.constant 128 : index
        %swap3A_87 = tpu.vector_load %arg11[%swap3A, %swap3A_86] {strides = array<i32>} : memref<128x144xf32, #tpu.memory_space<vmem>>, vector<1x16xf32>,
        %swap3A_88 = vector.shape_cast %swap3A_87 : vector<1x16xf32> to vector<16xf32>
        %swap3A_89 = vector.shape_cast %select_n3A : vector<16xf32> to vector<1x16xf32>
        tpu.vector_store %arg11[%swap3A, %swap3A_86], %swap3A_89 {strides = array<i32>} : memref<128x144xf32, #tpu.memory_space<vmem>>, vector<1x16xf32>,
        %broadcast_in_dim3A_90 = arith.constant 0 : i32
        %broadcast_in_dim3A_91 = vector.broadcast %broadcast_in_dim3A_90 : i32 to vector<16x1xi32>
        %gather3A = vector.shape_cast %broadcast_in_dim3A_91 : vector<16x1xi32> to vector<16xi32>
        %gather3A_92 = tpu.dynamic_gather %exp3A[%gather3A] in [0] : vector<16xf32>, vector<16xi32> -> vector<16xf32>
        %get3A_93 = arith.index_cast %scan3A_73 : i32 to index
        %get3A_94 = arith.constant 0 : index
        %get3A_95 = tpu.vector_load %arg9[%get3A_93, %get3A_94] {strides = array<i32>} : memref<128x144xf32, #tpu.memory_space<vmem>>, vector<1x16xf32>,
        %get3A_96 = vector.shape_cast %get3A_95 : vector<1x16xf32> to vector<16xf32>
        %mul3A_97 = arith.mulf %gather3A_92, %get3A_96 : vector<16xf32>
        %swap3A_98 = arith.index_cast %scan3A_73 : i32 to index
        %swap3A_99 = arith.constant 0 : index
        %swap3A_100 = tpu.vector_load %arg11[%swap3A_98, %swap3A_99] {strides = array<i32>} : memref<128x144xf32, #tpu.memory_space<vmem>>, vector<1x16xf32>,
        %swap3A_101 = vector.shape_cast %swap3A_100 : vector<1x16xf32> to vector<16xf32>
        %swap3A_102 = vector.shape_cast %mul3A_97 : vector<16xf32> to vector<1x16xf32>
        tpu.vector_store %arg11[%swap3A_98, %swap3A_99], %swap3A_102 {strides = array<i32>} : memref<128x144xf32, #tpu.memory_space<vmem>>, vector<1x16xf32>,
        %get3A_103 = arith.index_cast %scan3A_73 : i32 to index
        %get3A_104 = arith.constant 16 : index
        %get3A_105 = tpu.vector_load %arg9[%get3A_103, %get3A_104] {strides = array<i32>} : memref<128x144xf32, #tpu.memory_space<vmem>>, vector<1x16xf32>,
        %get3A_106 = vector.shape_cast %get3A_105 : vector<1x16xf32> to vector<16xf32>
        %mul3A_107 = arith.mulf %gather3A_92, %get3A_106 : vector<16xf32>
        %swap3A_108 = arith.index_cast %scan3A_73 : i32 to index
        %swap3A_109 = arith.constant 16 : index
        %swap3A_110 = tpu.vector_load %arg11[%swap3A_108, %swap3A_109] {strides = array<i32>} : memref<128x144xf32, #tpu.memory_space<vmem>>, vector<1x16xf32>,
        %swap3A_111 = vector.shape_cast %swap3A_110 : vector<1x16xf32> to vector<16xf32>
        %swap3A_112 = vector.shape_cast %mul3A_107 : vector<16xf32> to vector<1x16xf32>
        tpu.vector_store %arg11[%swap3A_108, %swap3A_109], %swap3A_112 {strides = array<i32>} : memref<128x144xf32, #tpu.memory_space<vmem>>, vector<1x16xf32>,
        %broadcast_in_dim3A_113 = arith.constant 1 : i32
        %broadcast_in_dim3A_114 = vector.broadcast %broadcast_in_dim3A_113 : i32 to vector<16x1xi32>
        %gather3A_115 = vector.shape_cast %broadcast_in_dim3A_114 : vector<16x1xi32> to vector<16xi32>
        %gather3A_116 = tpu.dynamic_gather %exp3A[%gather3A_115] in [0] : vector<16xf32>, vector<16xi32> -> vector<16xf32>
        %get3A_117 = arith.index_cast %scan3A_73 : i32 to index
        %get3A_118 = arith.constant 32 : index
        %get3A_119 = tpu.vector_load %arg9[%get3A_117, %get3A_118] {strides = array<i32>} : memref<128x144xf32, #tpu.memory_space<vmem>>, vector<1x16xf32>,
        %get3A_120 = vector.shape_cast %get3A_119 : vector<1x16xf32> to vector<16xf32>
        %mul3A_121 = arith.mulf %gather3A_116, %get3A_120 : vector<16xf32>
        %swap3A_122 = arith.index_cast %scan3A_73 : i32 to index
        %swap3A_123 = arith.constant 32 : index
        %swap3A_124 = tpu.vector_load %arg11[%swap3A_122, %swap3A_123] {strides = array<i32>} : memref<128x144xf32, #tpu.memory_space<vmem>>, vector<1x16xf32>,
        %swap3A_125 = vector.shape_cast %swap3A_124 : vector<1x16xf32> to vector<16xf32>
        %swap3A_126 = vector.shape_cast %mul3A_121 : vector<16xf32> to vector<1x16xf32>
        tpu.vector_store %arg11[%swap3A_122, %swap3A_123], %swap3A_126 {strides = array<i32>} : memref<128x144xf32, #tpu.memory_space<vmem>>, vector<1x16xf32>,
        %get3A_127 = arith.index_cast %scan3A_73 : i32 to index
        %get3A_128 = arith.constant 48 : index
        %get3A_129 = tpu.vector_load %arg9[%get3A_127, %get3A_128] {strides = array<i32>} : memref<128x144xf32, #tpu.memory_space<vmem>>, vector<1x16xf32>,
        %get3A_130 = vector.shape_cast %get3A_129 : vector<1x16xf32> to vector<16xf32>
        %mul3A_131 = arith.mulf %gather3A_116, %get3A_130 : vector<16xf32>
        %swap3A_132 = arith.index_cast %scan3A_73 : i32 to index
        %swap3A_133 = arith.constant 48 : index
        %swap3A_134 = tpu.vector_load %arg11[%swap3A_132, %swap3A_133] {strides = array<i32>} : memref<128x144xf32, #tpu.memory_space<vmem>>, vector<1x16xf32>,
        %swap3A_135 = vector.shape_cast %swap3A_134 : vector<1x16xf32> to vector<16xf32>
        %swap3A_136 = vector.shape_cast %mul3A_131 : vector<16xf32> to vector<1x16xf32>
        tpu.vector_store %arg11[%swap3A_132, %swap3A_133], %swap3A_136 {strides = array<i32>} : memref<128x144xf32, #tpu.memory_space<vmem>>, vector<1x16xf32>,
        %broadcast_in_dim3A_137 = arith.constant 2 : i32
        %broadcast_in_dim3A_138 = vector.broadcast %broadcast_in_dim3A_137 : i32 to vector<16x1xi32>
        %gather3A_139 = vector.shape_cast %broadcast_in_dim3A_138 : vector<16x1xi32> to vector<16xi32>
        %gather3A_140 = tpu.dynamic_gather %exp3A[%gather3A_139] in [0] : vector<16xf32>, vector<16xi32> -> vector<16xf32>
        %get3A_141 = arith.index_cast %scan3A_73 : i32 to index
        %get3A_142 = arith.constant 64 : index
        %get3A_143 = tpu.vector_load %arg9[%get3A_141, %get3A_142] {strides = array<i32>} : memref<128x144xf32, #tpu.memory_space<vmem>>, vector<1x16xf32>,
        %get3A_144 = vector.shape_cast %get3A_143 : vector<1x16xf32> to vector<16xf32>
        %mul3A_145 = arith.mulf %gather3A_140, %get3A_144 : vector<16xf32>
        %swap3A_146 = arith.index_cast %scan3A_73 : i32 to index
        %swap3A_147 = arith.constant 64 : index
        %swap3A_148 = tpu.vector_load %arg11[%swap3A_146, %swap3A_147] {strides = array<i32>} : memref<128x144xf32, #tpu.memory_space<vmem>>, vector<1x16xf32>,
        %swap3A_149 = vector.shape_cast %swap3A_148 : vector<1x16xf32> to vector<16xf32>
        %swap3A_150 = vector.shape_cast %mul3A_145 : vector<16xf32> to vector<1x16xf32>
        tpu.vector_store %arg11[%swap3A_146, %swap3A_147], %swap3A_150 {strides = array<i32>} : memref<128x144xf32, #tpu.memory_space<vmem>>, vector<1x16xf32>,
        %get3A_151 = arith.index_cast %scan3A_73 : i32 to index
        %get3A_152 = arith.constant 80 : index
        %get3A_153 = tpu.vector_load %arg9[%get3A_151, %get3A_152] {strides = array<i32>} : memref<128x144xf32, #tpu.memory_space<vmem>>, vector<1x16xf32>,
        %get3A_154 = vector.shape_cast %get3A_153 : vector<1x16xf32> to vector<16xf32>
        %mul3A_155 = arith.mulf %gather3A_140, %get3A_154 : vector<16xf32>
        %swap3A_156 = arith.index_cast %scan3A_73 : i32 to index
        %swap3A_157 = arith.constant 80 : index
        %swap3A_158 = tpu.vector_load %arg11[%swap3A_156, %swap3A_157] {strides = array<i32>} : memref<128x144xf32, #tpu.memory_space<vmem>>, vector<1x16xf32>,
        %swap3A_159 = vector.shape_cast %swap3A_158 : vector<1x16xf32> to vector<16xf32>
        %swap3A_160 = vector.shape_cast %mul3A_155 : vector<16xf32> to vector<1x16xf32>
        tpu.vector_store %arg11[%swap3A_156, %swap3A_157], %swap3A_160 {strides = array<i32>} : memref<128x144xf32, #tpu.memory_space<vmem>>, vector<1x16xf32>,
        %broadcast_in_dim3A_161 = arith.constant 3 : i32
        %broadcast_in_dim3A_162 = vector.broadcast %broadcast_in_dim3A_161 : i32 to vector<16x1xi32>
        %gather3A_163 = vector.shape_cast %broadcast_in_dim3A_162 : vector<16x1xi32> to vector<16xi32>
        %gather3A_164 = tpu.dynamic_gather %exp3A[%gather3A_163] in [0] : vector<16xf32>, vector<16xi32> -> vector<16xf32>
        %get3A_165 = arith.index_cast %scan3A_73 : i32 to index
        %get3A_166 = arith.constant 96 : index
        %get3A_167 = tpu.vector_load %arg9[%get3A_165, %get3A_166] {strides = array<i32>} : memref<128x144xf32, #tpu.memory_space<vmem>>, vector<1x16xf32>,
        %get3A_168 = vector.shape_cast %get3A_167 : vector<1x16xf32> to vector<16xf32>
        %mul3A_169 = arith.mulf %gather3A_164, %get3A_168 : vector<16xf32>
        %swap3A_170 = arith.index_cast %scan3A_73 : i32 to index
        %swap3A_171 = arith.constant 96 : index
        %swap3A_172 = tpu.vector_load %arg11[%swap3A_170, %swap3A_171] {strides = array<i32>} : memref<128x144xf32, #tpu.memory_space<vmem>>, vector<1x16xf32>,
        %swap3A_173 = vector.shape_cast %swap3A_172 : vector<1x16xf32> to vector<16xf32>
        %swap3A_174 = vector.shape_cast %mul3A_169 : vector<16xf32> to vector<1x16xf32>
        tpu.vector_store %arg11[%swap3A_170, %swap3A_171], %swap3A_174 {strides = array<i32>} : memref<128x144xf32, #tpu.memory_space<vmem>>, vector<1x16xf32>,
        %get3A_175 = arith.index_cast %scan3A_73 : i32 to index
        %get3A_176 = arith.constant 112 : index
        %get3A_177 = tpu.vector_load %arg9[%get3A_175, %get3A_176] {strides = array<i32>} : memref<128x144xf32, #tpu.memory_space<vmem>>, vector<1x16xf32>,
        %get3A_178 = vector.shape_cast %get3A_177 : vector<1x16xf32> to vector<16xf32>
        %mul3A_179 = arith.mulf %gather3A_164, %get3A_178 : vector<16xf32>
        %swap3A_180 = arith.index_cast %scan3A_73 : i32 to index
        %swap3A_181 = arith.constant 112 : index
        %swap3A_182 = tpu.vector_load %arg11[%swap3A_180, %swap3A_181] {strides = array<i32>} : memref<128x144xf32, #tpu.memory_space<vmem>>, vector<1x16xf32>,
        %swap3A_183 = vector.shape_cast %swap3A_182 : vector<1x16xf32> to vector<16xf32>
        %swap3A_184 = vector.shape_cast %mul3A_179 : vector<16xf32> to vector<1x16xf32>
        tpu.vector_store %arg11[%swap3A_180, %swap3A_181], %swap3A_184 {strides = array<i32>} : memref<128x144xf32, #tpu.memory_space<vmem>>, vector<1x16xf32>,
      }
      %scan3A_72 = arith.constant 128 : i32
      "tpu.region"() ({
        %run_scoped3A = tpu.sem_alloc : memref<!tpu.dma_semaphore, #tpu.memory_space<semaphore_mem>>
        %dma_start3A_73 = arith.constant 0 : i32
        %dma_start3A_74 = arith.constant 0 : i32
        %dma_start3A_75 = tpu.memref_slice %arg12[%dma_start3A_73, %dma_start3A_74] : memref<10112x144xf32, #tpu.memory_space<vmem_shared>> -> memref<10112x144xf32, #tpu.memory_space<vmem_shared>>
        tpu.enqueue_indirect_dma source(%arg11 : memref<128x144xf32, #tpu.memory_space<vmem>>) target(%dma_start3A_75 : memref<10112x144xf32, #tpu.memory_space<vmem_shared>>) offsets(%arg8 : memref<128xi32, #tpu.memory_space<vmem>>) semaphore(%run_scoped3A : memref<!tpu.dma_semaphore, #tpu.memory_space<semaphore_mem>>) {add = true}
        %dma_wait3A_76 = arith.constant 0 : i32
        %dma_wait3A_77 = arith.constant 0 : i32
        %dma_wait3A_78 = tpu.memref_slice %arg12[%dma_wait3A_76, %dma_wait3A_77] : memref<10112x144xf32, #tpu.memory_space<vmem_shared>> -> memref<10112x144xf32, #tpu.memory_space<vmem_shared>>
        tpu.wait_indirect_dma semaphore(%run_scoped3A : memref<!tpu.dma_semaphore, #tpu.memory_space<semaphore_mem>>) src(%arg11 : memref<128x144xf32, #tpu.memory_space<vmem>>) dst(%dma_wait3A_78 : memref<10112x144xf32, #tpu.memory_space<vmem_shared>>)
        tpu.yield
      }) : () -> ()
    }
    %scan3A_28 = arith.constant 164 : i32
    %barrier3A_29 = arith.constant 0 : index
    tpu.barrier barrier_id(%barrier3A_29)
    %mul3A_30 = arith.constant 632 : i32
    %mul3A_31 = arith.muli %arg1, %mul3A_30 : i32
    %mul3A_32 = arith.constant 632 : i32
    %mul3A_33 = arith.muli %arg1, %mul3A_32 : i32
    "tpu.region"() ({
      %run_scoped3A = tpu.sem_alloc : memref<!tpu.dma_semaphore, #tpu.memory_space<semaphore_mem>>
      %dma_start3A = arith.constant 0 : i32
      %dma_start3A_34 = arith.constant 0 : i32
      %dma_start3A_35 = tpu.memref_slice %arg6[%arg0, %dma_start3A, %dma_start3A_34] : memref<2x10112x144xf32, #tpu.memory_space<hbm>> -> memref<1x10112x144xf32, #tpu.memory_space<hbm>>
      %dma_start3A_36 = tpu.memref_squeeze %dma_start3A_35 : memref<1x10112x144xf32, #tpu.memory_space<hbm>> -> memref<10112x144xf32, #tpu.memory_space<hbm>>
      %dma_start3A_37 = arith.constant 0 : i32
      %dma_start3A_38 = tpu.memref_slice %dma_start3A_36[%mul3A_33, %dma_start3A_37] : memref<10112x144xf32, #tpu.memory_space<hbm>> -> memref<632x144xf32, #tpu.memory_space<hbm>>
      %dma_start3A_39 = arith.constant 0 : i32
      %dma_start3A_40 = tpu.memref_slice %arg12[%mul3A_31, %dma_start3A_39] : memref<10112x144xf32, #tpu.memory_space<vmem_shared>> -> memref<632x144xf32, #tpu.memory_space<vmem_shared>>
      tpu.enqueue_dma source(%dma_start3A_40 : memref<632x144xf32, #tpu.memory_space<vmem_shared>>) target(%dma_start3A_38 : memref<632x144xf32, #tpu.memory_space<hbm>>) target_semaphore(%run_scoped3A : memref<!tpu.dma_semaphore, #tpu.memory_space<semaphore_mem>>)
      %dma_wait3A = arith.constant 0 : i32
      %dma_wait3A_41 = arith.constant 0 : i32
      %dma_wait3A_42 = tpu.memref_slice %arg6[%arg0, %dma_wait3A, %dma_wait3A_41] : memref<2x10112x144xf32, #tpu.memory_space<hbm>> -> memref<1x10112x144xf32, #tpu.memory_space<hbm>>
      %dma_wait3A_43 = tpu.memref_squeeze %dma_wait3A_42 : memref<1x10112x144xf32, #tpu.memory_space<hbm>> -> memref<10112x144xf32, #tpu.memory_space<hbm>>
      %dma_wait3A_44 = arith.constant 0 : i32
      %dma_wait3A_45 = tpu.memref_slice %dma_wait3A_43[%mul3A_33, %dma_wait3A_44] : memref<10112x144xf32, #tpu.memory_space<hbm>> -> memref<632x144xf32, #tpu.memory_space<hbm>>
      %dma_wait3A_46 = arith.constant 0 : i32
      %dma_wait3A_47 = tpu.memref_slice %arg12[%mul3A_31, %dma_wait3A_46] : memref<10112x144xf32, #tpu.memory_space<vmem_shared>> -> memref<632x144xf32, #tpu.memory_space<vmem_shared>>
      tpu.wait_dma2 semaphore(%run_scoped3A : memref<!tpu.dma_semaphore, #tpu.memory_space<semaphore_mem>>) src(%dma_wait3A_47 : memref<632x144xf32, #tpu.memory_space<vmem_shared>>) dst(%dma_wait3A_45 : memref<632x144xf32, #tpu.memory_space<hbm>>)
      tpu.yield
    }) : () -> ()
    return
  }
}

#map = affine_map<(d0, d1) -> (0, 0)>
#map1 = affine_map<(d0, d1) -> (0)>
#map2 = affine_map<(d0, d1) -> (0, 0, 0)>
module attributes {stable_mosaic.version = 14 : i64} {
  func.func @_sc_l2_body(%arg0: i32, %arg1: i32, %arg2: memref<10112x48xf32, #tpu.memory_space<hbm>>, %arg3: memref<10112x16xf32, #tpu.memory_space<hbm>>, %arg4: memref<335872xi32, #tpu.memory_space<hbm>>, %arg5: memref<335872xi32, #tpu.memory_space<hbm>>, %arg6: memref<2x10112x48xf32, #tpu.memory_space<hbm>>, %arg7: memref<128xi32, #tpu.memory_space<vmem>>, %arg8: memref<128xi32, #tpu.memory_space<vmem>>, %arg9: memref<128x48xf32, #tpu.memory_space<vmem>>, %arg10: memref<128x16xf32, #tpu.memory_space<vmem>>, %arg11: memref<128x48xf32, #tpu.memory_space<vmem>>, %arg12: memref<10112x48xf32, #tpu.memory_space<vmem_shared>>, %arg13: memref<!tpu.dma_semaphore, #tpu.memory_space<semaphore_mem>>, %arg14: memref<!tpu.dma_semaphore, #tpu.memory_space<semaphore_mem>>) attributes {dimension_semantics = [#tpu.dimension_semantics<core_parallel>, #tpu.dimension_semantics<subcore_parallel>], iteration_bounds = array<i64: 2, 16>, scalar_prefetch = 0 : i64, scratch_operands = 8 : i64, tpu.core_type = #tpu.core_type<sc_vector_subcore>, window_params = [{transform_indices = #map}, {transform_indices = #map}, {transform_indices = #map1}, {transform_indices = #map1}, {transform_indices = #map2}]} {
    %broadcast_in_dim3A = arith.constant 0.000000e+00 : f32
    %broadcast_in_dim3A_0 = vector.broadcast %broadcast_in_dim3A : f32 to vector<16xf32>
    %scan3A = arith.constant 0 : i32
    %scan3A_1 = arith.constant 0 : i32
    %scan3A_2 = arith.constant 128 : i32
    %scan3A_3 = arith.addi %scan3A_1, %scan3A_2 : i32
    %scan3A_4 = arith.constant 1 : i32
    scf.for %scan3A_39 = %scan3A_1 to %scan3A_3 step %scan3A_4  : i32 {
      %swap3A = arith.index_cast %scan3A_39 : i32 to index
      %swap3A_40 = arith.constant 0 : index
      %swap3A_41 = tpu.vector_load %arg11[%swap3A, %swap3A_40] {strides = array<i32>} : memref<128x48xf32, #tpu.memory_space<vmem>>, vector<1x16xf32>,
      %swap3A_42 = vector.shape_cast %swap3A_41 : vector<1x16xf32> to vector<16xf32>
      %swap3A_43 = vector.shape_cast %broadcast_in_dim3A_0 : vector<16xf32> to vector<1x16xf32>
      tpu.vector_store %arg11[%swap3A, %swap3A_40], %swap3A_43 {strides = array<i32>} : memref<128x48xf32, #tpu.memory_space<vmem>>, vector<1x16xf32>,
      %swap3A_44 = arith.index_cast %scan3A_39 : i32 to index
      %swap3A_45 = arith.constant 16 : index
      %swap3A_46 = tpu.vector_load %arg11[%swap3A_44, %swap3A_45] {strides = array<i32>} : memref<128x48xf32, #tpu.memory_space<vmem>>, vector<1x16xf32>,
      %swap3A_47 = vector.shape_cast %swap3A_46 : vector<1x16xf32> to vector<16xf32>
      %swap3A_48 = vector.shape_cast %broadcast_in_dim3A_0 : vector<16xf32> to vector<1x16xf32>
      tpu.vector_store %arg11[%swap3A_44, %swap3A_45], %swap3A_48 {strides = array<i32>} : memref<128x48xf32, #tpu.memory_space<vmem>>, vector<1x16xf32>,
      %swap3A_49 = arith.index_cast %scan3A_39 : i32 to index
      %swap3A_50 = arith.constant 32 : index
      %swap3A_51 = tpu.vector_load %arg11[%swap3A_49, %swap3A_50] {strides = array<i32>} : memref<128x48xf32, #tpu.memory_space<vmem>>, vector<1x16xf32>,
      %swap3A_52 = vector.shape_cast %swap3A_51 : vector<1x16xf32> to vector<16xf32>
      %swap3A_53 = vector.shape_cast %broadcast_in_dim3A_0 : vector<16xf32> to vector<1x16xf32>
      tpu.vector_store %arg11[%swap3A_49, %swap3A_50], %swap3A_53 {strides = array<i32>} : memref<128x48xf32, #tpu.memory_space<vmem>>, vector<1x16xf32>,
    }
    %scan3A_5 = arith.constant 128 : i32
    %mul3A = arith.constant 632 : i32
    %mul3A_6 = arith.muli %arg1, %mul3A : i32
    %add3A = arith.constant 0 : i32
    %add3A_7 = arith.addi %mul3A_6, %add3A : i32
    "tpu.region"() ({
      %run_scoped3A = tpu.sem_alloc : memref<!tpu.dma_semaphore, #tpu.memory_space<semaphore_mem>>
      %dma_start3A = arith.constant 0 : i32
      %dma_start3A_39 = tpu.memref_slice %arg12[%add3A_7, %dma_start3A] : memref<10112x48xf32, #tpu.memory_space<vmem_shared>> -> memref<128x48xf32, #tpu.memory_space<vmem_shared>>
      %dma_start3A_40 = arith.constant 0 : i32
      %dma_start3A_41 = tpu.memref_slice %arg12[%add3A_7, %dma_start3A_40] : memref<10112x48xf32, #tpu.memory_space<vmem_shared>> -> memref<128x48xf32, #tpu.memory_space<vmem_shared>>
      tpu.enqueue_dma source(%arg11 : memref<128x48xf32, #tpu.memory_space<vmem>>) target(%dma_start3A_41 : memref<128x48xf32, #tpu.memory_space<vmem_shared>>) target_semaphore(%run_scoped3A : memref<!tpu.dma_semaphore, #tpu.memory_space<semaphore_mem>>)
      %dma_wait3A = arith.constant 0 : i32
      %dma_wait3A_42 = tpu.memref_slice %arg12[%add3A_7, %dma_wait3A] : memref<10112x48xf32, #tpu.memory_space<vmem_shared>> -> memref<128x48xf32, #tpu.memory_space<vmem_shared>>
      %dma_wait3A_43 = arith.constant 0 : i32
      %dma_wait3A_44 = tpu.memref_slice %arg12[%add3A_7, %dma_wait3A_43] : memref<10112x48xf32, #tpu.memory_space<vmem_shared>> -> memref<128x48xf32, #tpu.memory_space<vmem_shared>>
      tpu.wait_dma2 semaphore(%run_scoped3A : memref<!tpu.dma_semaphore, #tpu.memory_space<semaphore_mem>>) src(%arg11 : memref<128x48xf32, #tpu.memory_space<vmem>>) dst(%dma_wait3A_44 : memref<128x48xf32, #tpu.memory_space<vmem_shared>>)
      tpu.yield
    }) : () -> ()
    %add3A_8 = arith.constant 128 : i32
    %add3A_9 = arith.addi %mul3A_6, %add3A_8 : i32
    "tpu.region"() ({
      %run_scoped3A = tpu.sem_alloc : memref<!tpu.dma_semaphore, #tpu.memory_space<semaphore_mem>>
      %dma_start3A = arith.constant 0 : i32
      %dma_start3A_39 = tpu.memref_slice %arg12[%add3A_9, %dma_start3A] : memref<10112x48xf32, #tpu.memory_space<vmem_shared>> -> memref<128x48xf32, #tpu.memory_space<vmem_shared>>
      %dma_start3A_40 = arith.constant 0 : i32
      %dma_start3A_41 = tpu.memref_slice %arg12[%add3A_9, %dma_start3A_40] : memref<10112x48xf32, #tpu.memory_space<vmem_shared>> -> memref<128x48xf32, #tpu.memory_space<vmem_shared>>
      tpu.enqueue_dma source(%arg11 : memref<128x48xf32, #tpu.memory_space<vmem>>) target(%dma_start3A_41 : memref<128x48xf32, #tpu.memory_space<vmem_shared>>) target_semaphore(%run_scoped3A : memref<!tpu.dma_semaphore, #tpu.memory_space<semaphore_mem>>)
      %dma_wait3A = arith.constant 0 : i32
      %dma_wait3A_42 = tpu.memref_slice %arg12[%add3A_9, %dma_wait3A] : memref<10112x48xf32, #tpu.memory_space<vmem_shared>> -> memref<128x48xf32, #tpu.memory_space<vmem_shared>>
      %dma_wait3A_43 = arith.constant 0 : i32
      %dma_wait3A_44 = tpu.memref_slice %arg12[%add3A_9, %dma_wait3A_43] : memref<10112x48xf32, #tpu.memory_space<vmem_shared>> -> memref<128x48xf32, #tpu.memory_space<vmem_shared>>
      tpu.wait_dma2 semaphore(%run_scoped3A : memref<!tpu.dma_semaphore, #tpu.memory_space<semaphore_mem>>) src(%arg11 : memref<128x48xf32, #tpu.memory_space<vmem>>) dst(%dma_wait3A_44 : memref<128x48xf32, #tpu.memory_space<vmem_shared>>)
      tpu.yield
    }) : () -> ()
    %add3A_10 = arith.constant 256 : i32
    %add3A_11 = arith.addi %mul3A_6, %add3A_10 : i32
    "tpu.region"() ({
      %run_scoped3A = tpu.sem_alloc : memref<!tpu.dma_semaphore, #tpu.memory_space<semaphore_mem>>
      %dma_start3A = arith.constant 0 : i32
      %dma_start3A_39 = tpu.memref_slice %arg12[%add3A_11, %dma_start3A] : memref<10112x48xf32, #tpu.memory_space<vmem_shared>> -> memref<128x48xf32, #tpu.memory_space<vmem_shared>>
      %dma_start3A_40 = arith.constant 0 : i32
      %dma_start3A_41 = tpu.memref_slice %arg12[%add3A_11, %dma_start3A_40] : memref<10112x48xf32, #tpu.memory_space<vmem_shared>> -> memref<128x48xf32, #tpu.memory_space<vmem_shared>>
      tpu.enqueue_dma source(%arg11 : memref<128x48xf32, #tpu.memory_space<vmem>>) target(%dma_start3A_41 : memref<128x48xf32, #tpu.memory_space<vmem_shared>>) target_semaphore(%run_scoped3A : memref<!tpu.dma_semaphore, #tpu.memory_space<semaphore_mem>>)
      %dma_wait3A = arith.constant 0 : i32
      %dma_wait3A_42 = tpu.memref_slice %arg12[%add3A_11, %dma_wait3A] : memref<10112x48xf32, #tpu.memory_space<vmem_shared>> -> memref<128x48xf32, #tpu.memory_space<vmem_shared>>
      %dma_wait3A_43 = arith.constant 0 : i32
      %dma_wait3A_44 = tpu.memref_slice %arg12[%add3A_11, %dma_wait3A_43] : memref<10112x48xf32, #tpu.memory_space<vmem_shared>> -> memref<128x48xf32, #tpu.memory_space<vmem_shared>>
      tpu.wait_dma2 semaphore(%run_scoped3A : memref<!tpu.dma_semaphore, #tpu.memory_space<semaphore_mem>>) src(%arg11 : memref<128x48xf32, #tpu.memory_space<vmem>>) dst(%dma_wait3A_44 : memref<128x48xf32, #tpu.memory_space<vmem_shared>>)
      tpu.yield
    }) : () -> ()
    %add3A_12 = arith.constant 384 : i32
    %add3A_13 = arith.addi %mul3A_6, %add3A_12 : i32
    "tpu.region"() ({
      %run_scoped3A = tpu.sem_alloc : memref<!tpu.dma_semaphore, #tpu.memory_space<semaphore_mem>>
      %dma_start3A = arith.constant 0 : i32
      %dma_start3A_39 = tpu.memref_slice %arg12[%add3A_13, %dma_start3A] : memref<10112x48xf32, #tpu.memory_space<vmem_shared>> -> memref<128x48xf32, #tpu.memory_space<vmem_shared>>
      %dma_start3A_40 = arith.constant 0 : i32
      %dma_start3A_41 = tpu.memref_slice %arg12[%add3A_13, %dma_start3A_40] : memref<10112x48xf32, #tpu.memory_space<vmem_shared>> -> memref<128x48xf32, #tpu.memory_space<vmem_shared>>
      tpu.enqueue_dma source(%arg11 : memref<128x48xf32, #tpu.memory_space<vmem>>) target(%dma_start3A_41 : memref<128x48xf32, #tpu.memory_space<vmem_shared>>) target_semaphore(%run_scoped3A : memref<!tpu.dma_semaphore, #tpu.memory_space<semaphore_mem>>)
      %dma_wait3A = arith.constant 0 : i32
      %dma_wait3A_42 = tpu.memref_slice %arg12[%add3A_13, %dma_wait3A] : memref<10112x48xf32, #tpu.memory_space<vmem_shared>> -> memref<128x48xf32, #tpu.memory_space<vmem_shared>>
      %dma_wait3A_43 = arith.constant 0 : i32
      %dma_wait3A_44 = tpu.memref_slice %arg12[%add3A_13, %dma_wait3A_43] : memref<10112x48xf32, #tpu.memory_space<vmem_shared>> -> memref<128x48xf32, #tpu.memory_space<vmem_shared>>
      tpu.wait_dma2 semaphore(%run_scoped3A : memref<!tpu.dma_semaphore, #tpu.memory_space<semaphore_mem>>) src(%arg11 : memref<128x48xf32, #tpu.memory_space<vmem>>) dst(%dma_wait3A_44 : memref<128x48xf32, #tpu.memory_space<vmem_shared>>)
      tpu.yield
    }) : () -> ()
    %add3A_14 = arith.constant 512 : i32
    %add3A_15 = arith.addi %mul3A_6, %add3A_14 : i32
    "tpu.region"() ({
      %run_scoped3A = tpu.sem_alloc : memref<!tpu.dma_semaphore, #tpu.memory_space<semaphore_mem>>
      %dma_start3A = arith.constant 0 : i32
      %dma_start3A_39 = arith.constant 0 : i32
      %dma_start3A_40 = tpu.memref_slice %arg11[%dma_start3A, %dma_start3A_39] : memref<128x48xf32, #tpu.memory_space<vmem>> -> memref<120x48xf32, #tpu.memory_space<vmem>>
      %dma_start3A_41 = arith.constant 0 : i32
      %dma_start3A_42 = tpu.memref_slice %arg12[%add3A_15, %dma_start3A_41] : memref<10112x48xf32, #tpu.memory_space<vmem_shared>> -> memref<120x48xf32, #tpu.memory_space<vmem_shared>>
      %dma_start3A_43 = arith.constant 0 : i32
      %dma_start3A_44 = tpu.memref_slice %arg12[%add3A_15, %dma_start3A_43] : memref<10112x48xf32, #tpu.memory_space<vmem_shared>> -> memref<120x48xf32, #tpu.memory_space<vmem_shared>>
      %dma_start3A_45 = arith.constant 0 : i32
      %dma_start3A_46 = arith.constant 0 : i32
      %dma_start3A_47 = tpu.memref_slice %arg11[%dma_start3A_45, %dma_start3A_46] : memref<128x48xf32, #tpu.memory_space<vmem>> -> memref<120x48xf32, #tpu.memory_space<vmem>>
      tpu.enqueue_dma source(%dma_start3A_47 : memref<120x48xf32, #tpu.memory_space<vmem>>) target(%dma_start3A_44 : memref<120x48xf32, #tpu.memory_space<vmem_shared>>) target_semaphore(%run_scoped3A : memref<!tpu.dma_semaphore, #tpu.memory_space<semaphore_mem>>)
      %dma_wait3A = arith.constant 0 : i32
      %dma_wait3A_48 = arith.constant 0 : i32
      %dma_wait3A_49 = tpu.memref_slice %arg11[%dma_wait3A, %dma_wait3A_48] : memref<128x48xf32, #tpu.memory_space<vmem>> -> memref<120x48xf32, #tpu.memory_space<vmem>>
      %dma_wait3A_50 = arith.constant 0 : i32
      %dma_wait3A_51 = tpu.memref_slice %arg12[%add3A_15, %dma_wait3A_50] : memref<10112x48xf32, #tpu.memory_space<vmem_shared>> -> memref<120x48xf32, #tpu.memory_space<vmem_shared>>
      %dma_wait3A_52 = arith.constant 0 : i32
      %dma_wait3A_53 = tpu.memref_slice %arg12[%add3A_15, %dma_wait3A_52] : memref<10112x48xf32, #tpu.memory_space<vmem_shared>> -> memref<120x48xf32, #tpu.memory_space<vmem_shared>>
      %dma_wait3A_54 = arith.constant 0 : i32
      %dma_wait3A_55 = arith.constant 0 : i32
      %dma_wait3A_56 = tpu.memref_slice %arg11[%dma_wait3A_54, %dma_wait3A_55] : memref<128x48xf32, #tpu.memory_space<vmem>> -> memref<120x48xf32, #tpu.memory_space<vmem>>
      tpu.wait_dma2 semaphore(%run_scoped3A : memref<!tpu.dma_semaphore, #tpu.memory_space<semaphore_mem>>) src(%dma_wait3A_56 : memref<120x48xf32, #tpu.memory_space<vmem>>) dst(%dma_wait3A_53 : memref<120x48xf32, #tpu.memory_space<vmem_shared>>)
      tpu.yield
    }) : () -> ()
    %mul3A_16 = arith.constant 2 : i32
    %mul3A_17 = arith.muli %arg1, %mul3A_16 : i32
    %add3A_18 = arith.addi %mul3A_17, %arg0 : i32
    %mul3A_19 = arith.constant 10496 : i32
    %mul3A_20 = arith.muli %add3A_18, %mul3A_19 : i32
    %barrier3A = arith.constant 0 : index
    tpu.barrier barrier_id(%barrier3A)
    %iota3A = tpu.iota {dimensions = array<i32: 0>} : vector<16xi32>
    %lt3A = arith.constant 8 : i32
    %lt3A_21 = vector.broadcast %lt3A : i32 to vector<16xi32>
    %lt3A_22 = arith.cmpi slt, %iota3A, %lt3A_21 : vector<16xi32>
    %lt3A_23 = arith.constant 8 : i32
    %lt3A_24 = vector.broadcast %lt3A_23 : i32 to vector<16xi32>
    %lt3A_25 = arith.cmpi slt, %iota3A, %lt3A_24 : vector<16xi32>
    %eq3A = arith.constant 8 : i32
    %eq3A_26 = vector.broadcast %eq3A : i32 to vector<16xi32>
    %eq3A_27 = arith.cmpi eq, %iota3A, %eq3A_26 : vector<16xi32>
    %scan3A_28 = arith.constant 0 : i32
    %scan3A_29 = arith.constant 0 : i32
    %scan3A_30 = arith.constant 82 : i32
    %scan3A_31 = arith.addi %scan3A_29, %scan3A_30 : i32
    %scan3A_32 = arith.constant 1 : i32
    scf.for %scan3A_39 = %scan3A_29 to %scan3A_31 step %scan3A_32  : i32 {
      %mul3A_40 = arith.constant 128 : i32
      %mul3A_41 = arith.muli %scan3A_39, %mul3A_40 : i32
      %add3A_42 = arith.addi %mul3A_20, %mul3A_41 : i32
      "tpu.region"() ({
        %run_scoped3A = tpu.sem_alloc : memref<!tpu.dma_semaphore, #tpu.memory_space<semaphore_mem>>
        %dma_start3A_62 = tpu.memref_slice %arg4[%add3A_42] : memref<335872xi32, #tpu.memory_space<hbm>> -> memref<128xi32, #tpu.memory_space<hbm>>
        %dma_start3A_63 = tpu.memref_slice %arg4[%add3A_42] : memref<335872xi32, #tpu.memory_space<hbm>> -> memref<128xi32, #tpu.memory_space<hbm>>
        tpu.enqueue_dma source(%dma_start3A_63 : memref<128xi32, #tpu.memory_space<hbm>>) target(%arg7 : memref<128xi32, #tpu.memory_space<vmem>>) target_semaphore(%run_scoped3A : memref<!tpu.dma_semaphore, #tpu.memory_space<semaphore_mem>>)
        %dma_wait3A_64 = tpu.memref_slice %arg4[%add3A_42] : memref<335872xi32, #tpu.memory_space<hbm>> -> memref<128xi32, #tpu.memory_space<hbm>>
        %dma_wait3A_65 = tpu.memref_slice %arg4[%add3A_42] : memref<335872xi32, #tpu.memory_space<hbm>> -> memref<128xi32, #tpu.memory_space<hbm>>
        tpu.wait_dma2 semaphore(%run_scoped3A : memref<!tpu.dma_semaphore, #tpu.memory_space<semaphore_mem>>) src(%dma_wait3A_65 : memref<128xi32, #tpu.memory_space<hbm>>) dst(%arg7 : memref<128xi32, #tpu.memory_space<vmem>>)
        tpu.yield
      }) : () -> ()
      %mul3A_43 = arith.constant 128 : i32
      %mul3A_44 = arith.muli %scan3A_39, %mul3A_43 : i32
      %add3A_45 = arith.addi %mul3A_20, %mul3A_44 : i32
      "tpu.region"() ({
        %run_scoped3A = tpu.sem_alloc : memref<!tpu.dma_semaphore, #tpu.memory_space<semaphore_mem>>
        %dma_start3A_62 = tpu.memref_slice %arg5[%add3A_45] : memref<335872xi32, #tpu.memory_space<hbm>> -> memref<128xi32, #tpu.memory_space<hbm>>
        %dma_start3A_63 = tpu.memref_slice %arg5[%add3A_45] : memref<335872xi32, #tpu.memory_space<hbm>> -> memref<128xi32, #tpu.memory_space<hbm>>
        tpu.enqueue_dma source(%dma_start3A_63 : memref<128xi32, #tpu.memory_space<hbm>>) target(%arg8 : memref<128xi32, #tpu.memory_space<vmem>>) target_semaphore(%run_scoped3A : memref<!tpu.dma_semaphore, #tpu.memory_space<semaphore_mem>>)
        %dma_wait3A_64 = tpu.memref_slice %arg5[%add3A_45] : memref<335872xi32, #tpu.memory_space<hbm>> -> memref<128xi32, #tpu.memory_space<hbm>>
        %dma_wait3A_65 = tpu.memref_slice %arg5[%add3A_45] : memref<335872xi32, #tpu.memory_space<hbm>> -> memref<128xi32, #tpu.memory_space<hbm>>
        tpu.wait_dma2 semaphore(%run_scoped3A : memref<!tpu.dma_semaphore, #tpu.memory_space<semaphore_mem>>) src(%dma_wait3A_65 : memref<128xi32, #tpu.memory_space<hbm>>) dst(%arg8 : memref<128xi32, #tpu.memory_space<vmem>>)
        tpu.yield
      }) : () -> ()
      %dma_start3A = arith.constant 0 : i32
      %dma_start3A_46 = arith.constant 0 : i32
      %dma_start3A_47 = tpu.memref_slice %arg2[%dma_start3A, %dma_start3A_46] : memref<10112x48xf32, #tpu.memory_space<hbm>> -> memref<10112x48xf32, #tpu.memory_space<hbm>>
      tpu.enqueue_indirect_dma source(%dma_start3A_47 : memref<10112x48xf32, #tpu.memory_space<hbm>>) target(%arg9 : memref<128x48xf32, #tpu.memory_space<vmem>>) offsets(%arg7 : memref<128xi32, #tpu.memory_space<vmem>>) semaphore(%arg13 : memref<!tpu.dma_semaphore, #tpu.memory_space<semaphore_mem>>)
      %dma_start3A_48 = arith.constant 0 : i32
      %dma_start3A_49 = arith.constant 0 : i32
      %dma_start3A_50 = tpu.memref_slice %arg3[%dma_start3A_48, %dma_start3A_49] : memref<10112x16xf32, #tpu.memory_space<hbm>> -> memref<10112x16xf32, #tpu.memory_space<hbm>>
      tpu.enqueue_indirect_dma source(%dma_start3A_50 : memref<10112x16xf32, #tpu.memory_space<hbm>>) target(%arg10 : memref<128x16xf32, #tpu.memory_space<vmem>>) offsets(%arg8 : memref<128xi32, #tpu.memory_space<vmem>>) semaphore(%arg14 : memref<!tpu.dma_semaphore, #tpu.memory_space<semaphore_mem>>)
      %dma_wait3A = arith.constant 0 : i32
      %dma_wait3A_51 = arith.constant 0 : i32
      %dma_wait3A_52 = tpu.memref_slice %arg2[%dma_wait3A, %dma_wait3A_51] : memref<10112x48xf32, #tpu.memory_space<hbm>> -> memref<10112x48xf32, #tpu.memory_space<hbm>>
      tpu.wait_indirect_dma semaphore(%arg13 : memref<!tpu.dma_semaphore, #tpu.memory_space<semaphore_mem>>) src(%dma_wait3A_52 : memref<10112x48xf32, #tpu.memory_space<hbm>>) dst(%arg9 : memref<128x48xf32, #tpu.memory_space<vmem>>)
      %dma_wait3A_53 = arith.constant 0 : i32
      %dma_wait3A_54 = arith.constant 0 : i32
      %dma_wait3A_55 = tpu.memref_slice %arg3[%dma_wait3A_53, %dma_wait3A_54] : memref<10112x16xf32, #tpu.memory_space<hbm>> -> memref<10112x16xf32, #tpu.memory_space<hbm>>
      tpu.wait_indirect_dma semaphore(%arg14 : memref<!tpu.dma_semaphore, #tpu.memory_space<semaphore_mem>>) src(%dma_wait3A_55 : memref<10112x16xf32, #tpu.memory_space<hbm>>) dst(%arg10 : memref<128x16xf32, #tpu.memory_space<vmem>>)
      %scan3A_56 = arith.constant 0 : i32
      %scan3A_57 = arith.constant 0 : i32
      %scan3A_58 = arith.constant 128 : i32
      %scan3A_59 = arith.addi %scan3A_57, %scan3A_58 : i32
      %scan3A_60 = arith.constant 1 : i32
      scf.for %scan3A_62 = %scan3A_57 to %scan3A_59 step %scan3A_60  : i32 {
        %get3A = arith.index_cast %scan3A_62 : i32 to index
        %get3A_63 = arith.constant 32 : index
        %get3A_64 = tpu.vector_load %arg9[%get3A, %get3A_63] {strides = array<i32>} : memref<128x48xf32, #tpu.memory_space<vmem>>, vector<1x16xf32>,
        %get3A_65 = vector.shape_cast %get3A_64 : vector<1x16xf32> to vector<16xf32>
        %get3A_66 = arith.index_cast %scan3A_62 : i32 to index
        %get3A_67 = arith.constant 0 : index
        %get3A_68 = tpu.vector_load %arg10[%get3A_66, %get3A_67] {strides = array<i32>} : memref<128x16xf32, #tpu.memory_space<vmem>>, vector<1x16xf32>,
        %get3A_69 = vector.shape_cast %get3A_68 : vector<1x16xf32> to vector<16xf32>
        %broadcast_in_dim3A_70 = arith.constant 8 : i32
        %broadcast_in_dim3A_71 = vector.broadcast %broadcast_in_dim3A_70 : i32 to vector<16x1xi32>
        %gather3A = vector.shape_cast %broadcast_in_dim3A_71 : vector<16x1xi32> to vector<16xi32>
        %gather3A_72 = tpu.dynamic_gather %get3A_65[%gather3A] in [0] : vector<16xf32>, vector<16xi32> -> vector<16xf32>
        %broadcast_in_dim3A_73 = arith.constant 0 : i32
        %broadcast_in_dim3A_74 = vector.broadcast %broadcast_in_dim3A_73 : i32 to vector<16x1xi32>
        %gather3A_75 = vector.shape_cast %broadcast_in_dim3A_74 : vector<16x1xi32> to vector<16xi32>
        %gather3A_76 = tpu.dynamic_gather %get3A_69[%gather3A_75] in [0] : vector<16xf32>, vector<16xi32> -> vector<16xf32>
        %add3A_77 = arith.addf %gather3A_72, %gather3A_76 : vector<16xf32>
        %mul3A_78 = arith.constant 2.000000e-01 : f32
        %mul3A_79 = vector.broadcast %mul3A_78 : f32 to vector<16xf32>
        %mul3A_80 = arith.mulf %mul3A_79, %add3A_77 : vector<16xf32>
        %max3A = arith.maximumf %add3A_77, %mul3A_80 : vector<16xf32>
        %exp3A = math.exp %max3A : vector<16xf32>
        %get3A_81 = arith.index_cast %scan3A_62 : i32 to index
        %get3A_82 = arith.constant 0 : index
        %get3A_83 = tpu.vector_load %arg9[%get3A_81, %get3A_82] {strides = array<i32>} : memref<128x48xf32, #tpu.memory_space<vmem>>, vector<1x16xf32>,
        %get3A_84 = vector.shape_cast %get3A_83 : vector<1x16xf32> to vector<16xf32>
        %mul3A_85 = arith.mulf %exp3A, %get3A_84 : vector<16xf32>
        %swap3A = arith.index_cast %scan3A_62 : i32 to index
        %swap3A_86 = arith.constant 0 : index
        %swap3A_87 = tpu.vector_load %arg11[%swap3A, %swap3A_86] {strides = array<i32>} : memref<128x48xf32, #tpu.memory_space<vmem>>, vector<1x16xf32>,
        %swap3A_88 = vector.shape_cast %swap3A_87 : vector<1x16xf32> to vector<16xf32>
        %swap3A_89 = vector.shape_cast %mul3A_85 : vector<16xf32> to vector<1x16xf32>
        tpu.vector_store %arg11[%swap3A, %swap3A_86], %swap3A_89 {strides = array<i32>} : memref<128x48xf32, #tpu.memory_space<vmem>>, vector<1x16xf32>,
        %get3A_90 = arith.index_cast %scan3A_62 : i32 to index
        %get3A_91 = arith.constant 16 : index
        %get3A_92 = tpu.vector_load %arg9[%get3A_90, %get3A_91] {strides = array<i32>} : memref<128x48xf32, #tpu.memory_space<vmem>>, vector<1x16xf32>,
        %get3A_93 = vector.shape_cast %get3A_92 : vector<1x16xf32> to vector<16xf32>
        %mul3A_94 = arith.mulf %exp3A, %get3A_93 : vector<16xf32>
        %swap3A_95 = arith.index_cast %scan3A_62 : i32 to index
        %swap3A_96 = arith.constant 16 : index
        %swap3A_97 = tpu.vector_load %arg11[%swap3A_95, %swap3A_96] {strides = array<i32>} : memref<128x48xf32, #tpu.memory_space<vmem>>, vector<1x16xf32>,
        %swap3A_98 = vector.shape_cast %swap3A_97 : vector<1x16xf32> to vector<16xf32>
        %swap3A_99 = vector.shape_cast %mul3A_94 : vector<16xf32> to vector<1x16xf32>
        tpu.vector_store %arg11[%swap3A_95, %swap3A_96], %swap3A_99 {strides = array<i32>} : memref<128x48xf32, #tpu.memory_space<vmem>>, vector<1x16xf32>,
        %mul3A_100 = arith.mulf %exp3A, %get3A_65 : vector<16xf32>
        %jit3A = arith.constant 0.000000e+00 : f32
        %broadcast_in_dim3A_101 = vector.broadcast %jit3A : f32 to vector<16xf32>
        %select_n3A = arith.select %eq3A_27, %exp3A, %broadcast_in_dim3A_101 : vector<16xi1>, vector<16xf32>
        %select_n3A_102 = arith.select %lt3A_25, %mul3A_100, %select_n3A : vector<16xi1>, vector<16xf32>
        %swap3A_103 = arith.index_cast %scan3A_62 : i32 to index
        %swap3A_104 = arith.constant 32 : index
        %swap3A_105 = tpu.vector_load %arg11[%swap3A_103, %swap3A_104] {strides = array<i32>} : memref<128x48xf32, #tpu.memory_space<vmem>>, vector<1x16xf32>,
        %swap3A_106 = vector.shape_cast %swap3A_105 : vector<1x16xf32> to vector<16xf32>
        %swap3A_107 = vector.shape_cast %select_n3A_102 : vector<16xf32> to vector<1x16xf32>
        tpu.vector_store %arg11[%swap3A_103, %swap3A_104], %swap3A_107 {strides = array<i32>} : memref<128x48xf32, #tpu.memory_space<vmem>>, vector<1x16xf32>,
      }
      %scan3A_61 = arith.constant 128 : i32
      "tpu.region"() ({
        %run_scoped3A = tpu.sem_alloc : memref<!tpu.dma_semaphore, #tpu.memory_space<semaphore_mem>>
        %dma_start3A_62 = arith.constant 0 : i32
        %dma_start3A_63 = arith.constant 0 : i32
        %dma_start3A_64 = tpu.memref_slice %arg12[%dma_start3A_62, %dma_start3A_63] : memref<10112x48xf32, #tpu.memory_space<vmem_shared>> -> memref<10112x48xf32, #tpu.memory_space<vmem_shared>>
        tpu.enqueue_indirect_dma source(%arg11 : memref<128x48xf32, #tpu.memory_space<vmem>>) target(%dma_start3A_64 : memref<10112x48xf32, #tpu.memory_space<vmem_shared>>) offsets(%arg8 : memref<128xi32, #tpu.memory_space<vmem>>) semaphore(%run_scoped3A : memref<!tpu.dma_semaphore, #tpu.memory_space<semaphore_mem>>) {add = true}
        %dma_wait3A_65 = arith.constant 0 : i32
        %dma_wait3A_66 = arith.constant 0 : i32
        %dma_wait3A_67 = tpu.memref_slice %arg12[%dma_wait3A_65, %dma_wait3A_66] : memref<10112x48xf32, #tpu.memory_space<vmem_shared>> -> memref<10112x48xf32, #tpu.memory_space<vmem_shared>>
        tpu.wait_indirect_dma semaphore(%run_scoped3A : memref<!tpu.dma_semaphore, #tpu.memory_space<semaphore_mem>>) src(%arg11 : memref<128x48xf32, #tpu.memory_space<vmem>>) dst(%dma_wait3A_67 : memref<10112x48xf32, #tpu.memory_space<vmem_shared>>)
        tpu.yield
      }) : () -> ()
    }
    %scan3A_33 = arith.constant 82 : i32
    %barrier3A_34 = arith.constant 0 : index
    tpu.barrier barrier_id(%barrier3A_34)
    %mul3A_35 = arith.constant 632 : i32
    %mul3A_36 = arith.muli %arg1, %mul3A_35 : i32
    %mul3A_37 = arith.constant 632 : i32
    %mul3A_38 = arith.muli %arg1, %mul3A_37 : i32
    "tpu.region"() ({
      %run_scoped3A = tpu.sem_alloc : memref<!tpu.dma_semaphore, #tpu.memory_space<semaphore_mem>>
      %dma_start3A = arith.constant 0 : i32
      %dma_start3A_39 = arith.constant 0 : i32
      %dma_start3A_40 = tpu.memref_slice %arg6[%arg0, %dma_start3A, %dma_start3A_39] : memref<2x10112x48xf32, #tpu.memory_space<hbm>> -> memref<1x10112x48xf32, #tpu.memory_space<hbm>>
      %dma_start3A_41 = tpu.memref_squeeze %dma_start3A_40 : memref<1x10112x48xf32, #tpu.memory_space<hbm>> -> memref<10112x48xf32, #tpu.memory_space<hbm>>
      %dma_start3A_42 = arith.constant 0 : i32
      %dma_start3A_43 = tpu.memref_slice %dma_start3A_41[%mul3A_38, %dma_start3A_42] : memref<10112x48xf32, #tpu.memory_space<hbm>> -> memref<632x48xf32, #tpu.memory_space<hbm>>
      %dma_start3A_44 = arith.constant 0 : i32
      %dma_start3A_45 = tpu.memref_slice %arg12[%mul3A_36, %dma_start3A_44] : memref<10112x48xf32, #tpu.memory_space<vmem_shared>> -> memref<632x48xf32, #tpu.memory_space<vmem_shared>>
      tpu.enqueue_dma source(%dma_start3A_45 : memref<632x48xf32, #tpu.memory_space<vmem_shared>>) target(%dma_start3A_43 : memref<632x48xf32, #tpu.memory_space<hbm>>) target_semaphore(%run_scoped3A : memref<!tpu.dma_semaphore, #tpu.memory_space<semaphore_mem>>)
      %dma_wait3A = arith.constant 0 : i32
      %dma_wait3A_46 = arith.constant 0 : i32
      %dma_wait3A_47 = tpu.memref_slice %arg6[%arg0, %dma_wait3A, %dma_wait3A_46] : memref<2x10112x48xf32, #tpu.memory_space<hbm>> -> memref<1x10112x48xf32, #tpu.memory_space<hbm>>
      %dma_wait3A_48 = tpu.memref_squeeze %dma_wait3A_47 : memref<1x10112x48xf32, #tpu.memory_space<hbm>> -> memref<10112x48xf32, #tpu.memory_space<hbm>>
      %dma_wait3A_49 = arith.constant 0 : i32
      %dma_wait3A_50 = tpu.memref_slice %dma_wait3A_48[%mul3A_38, %dma_wait3A_49] : memref<10112x48xf32, #tpu.memory_space<hbm>> -> memref<632x48xf32, #tpu.memory_space<hbm>>
      %dma_wait3A_51 = arith.constant 0 : i32
      %dma_wait3A_52 = tpu.memref_slice %arg12[%mul3A_36, %dma_wait3A_51] : memref<10112x48xf32, #tpu.memory_space<vmem_shared>> -> memref<632x48xf32, #tpu.memory_space<vmem_shared>>
      tpu.wait_dma2 semaphore(%run_scoped3A : memref<!tpu.dma_semaphore, #tpu.memory_space<semaphore_mem>>) src(%dma_wait3A_52 : memref<632x48xf32, #tpu.memory_space<vmem_shared>>) dst(%dma_wait3A_50 : memref<632x48xf32, #tpu.memory_space<hbm>>)
      tpu.yield
    }) : () -> ()
    return
  }
}

module attributes {stable_mosaic.version = 14 : i64} {
  func.func @_mm_att_kernel(%arg0: i32, %arg1: memref<128x128xf32, #tpu.memory_space<vmem>>, %arg2: memref<128x256xf32, #tpu.memory_space<vmem>>, %arg3: memref<256x8xf32, #tpu.memory_space<vmem>>, %arg4: memref<256x8xf32, #tpu.memory_space<vmem>>, %arg5: memref<128x256xf32, #tpu.memory_space<vmem>>, %arg6: memref<128x8xf32, #tpu.memory_space<vmem>>, %arg7: memref<128x8xf32, #tpu.memory_space<vmem>>) attributes {dimension_semantics = [#tpu.dimension_semantics<arbitrary>], iteration_bounds = array<i64: 79>, scalar_prefetch = 0 : i64, scratch_operands = 0 : i64, tpu.core_type = #tpu.core_type<tc>, window_params = [{transform_indices = @transform_0, window_bounds = array<i64: 128, 128>}, {pipeline_mode = #tpu.pipeline_mode<synchronous>, transform_indices = @transform_1, window_bounds = array<i64: 128, 256>}, {pipeline_mode = #tpu.pipeline_mode<synchronous>, transform_indices = @transform_2, window_bounds = array<i64: 256, 8>}, {pipeline_mode = #tpu.pipeline_mode<synchronous>, transform_indices = @transform_3, window_bounds = array<i64: 256, 8>}, {transform_indices = @transform_4, window_bounds = array<i64: 128, 256>}, {transform_indices = @transform_5, window_bounds = array<i64: 128, 8>}, {transform_indices = @transform_6, window_bounds = array<i64: 128, 8>}]} {
    %get3A = arith.constant 0 : index
    %get3A_0 = arith.constant 0 : index
    %get3A_1 = vector.load %arg1[%get3A, %get3A_0] : memref<128x128xf32, #tpu.memory_space<vmem>>, vector<128x128xf32>
    %get3A_2 = arith.constant 0 : index
    %get3A_3 = arith.constant 0 : index
    %get3A_4 = vector.load %arg2[%get3A_2, %get3A_3] : memref<128x256xf32, #tpu.memory_space<vmem>>, vector<128x256xf32>
    %dot_general3A = arith.constant dense<0.000000e+00> : vector<128x256xf32>
    %dot_general3A_5 = tpu.matmul %get3A_1, %get3A_4, %dot_general3A {dimension_numbers = #tpu.dot_dimension_numbers<[1], [0], [0], [1], [0, 0, 1, 1], [], []>, transpose_lhs_hint = false} : vector<128x128xf32>, vector<128x256xf32>, vector<128x256xf32> -> vector<128x256xf32>
    %swap3A = arith.constant 0 : index
    %swap3A_6 = arith.constant 0 : index
    %swap3A_7 = vector.load %arg5[%swap3A, %swap3A_6] : memref<128x256xf32, #tpu.memory_space<vmem>>, vector<128x256xf32>
    tpu.vector_store %arg5[%swap3A, %swap3A_6], %dot_general3A_5 {strides = array<i32>} : memref<128x256xf32, #tpu.memory_space<vmem>>, vector<128x256xf32>,
    %get3A_8 = arith.constant 0 : index
    %get3A_9 = arith.constant 0 : index
    %get3A_10 = vector.load %arg3[%get3A_8, %get3A_9] : memref<256x8xf32, #tpu.memory_space<vmem>>, vector<256x8xf32>
    %dot_general3A_11 = arith.constant dense<0.000000e+00> : vector<128x8xf32>
    %dot_general3A_12 = tpu.matmul %dot_general3A_5, %get3A_10, %dot_general3A_11 {dimension_numbers = #tpu.dot_dimension_numbers<[1], [0], [0], [1], [0, 0, 1, 1], [], []>, transpose_lhs_hint = false} : vector<128x256xf32>, vector<256x8xf32>, vector<128x8xf32> -> vector<128x8xf32>
    %swap3A_13 = arith.constant 0 : index
    %swap3A_14 = arith.constant 0 : index
    %swap3A_15 = vector.load %arg6[%swap3A_13, %swap3A_14] : memref<128x8xf32, #tpu.memory_space<vmem>>, vector<128x8xf32>
    tpu.vector_store %arg6[%swap3A_13, %swap3A_14], %dot_general3A_12 {strides = array<i32>} : memref<128x8xf32, #tpu.memory_space<vmem>>, vector<128x8xf32>,
    %get3A_16 = arith.constant 0 : index
    %get3A_17 = arith.constant 0 : index
    %get3A_18 = vector.load %arg4[%get3A_16, %get3A_17] : memref<256x8xf32, #tpu.memory_space<vmem>>, vector<256x8xf32>
    %dot_general3A_19 = arith.constant dense<0.000000e+00> : vector<128x8xf32>
    %dot_general3A_20 = tpu.matmul %dot_general3A_5, %get3A_18, %dot_general3A_19 {dimension_numbers = #tpu.dot_dimension_numbers<[1], [0], [0], [1], [0, 0, 1, 1], [], []>, transpose_lhs_hint = false} : vector<128x256xf32>, vector<256x8xf32>, vector<128x8xf32> -> vector<128x8xf32>
    %swap3A_21 = arith.constant 0 : index
    %swap3A_22 = arith.constant 0 : index
    %swap3A_23 = vector.load %arg7[%swap3A_21, %swap3A_22] : memref<128x8xf32, #tpu.memory_space<vmem>>, vector<128x8xf32>
    tpu.vector_store %arg7[%swap3A_21, %swap3A_22], %dot_general3A_20 {strides = array<i32>} : memref<128x8xf32, #tpu.memory_space<vmem>>, vector<128x8xf32>,
    return
  }
  func.func @transform_0(%arg0: i32) -> (i32, i32) {
    %c0_i32 = arith.constant 0 : i32
    %c0_i32_0 = arith.constant 0 : i32
    return %arg0, %c0_i32 : i32, i32
  }
  func.func @transform_1(%arg0: i32) -> (i32, i32) {
    %c0_i32 = arith.constant 0 : i32
    %c0_i32_0 = arith.constant 0 : i32
    %c0_i32_1 = arith.constant 0 : i32
    return %c0_i32, %c0_i32_0 : i32, i32
  }
  func.func @transform_2(%arg0: i32) -> (i32, i32) {
    %c0_i32 = arith.constant 0 : i32
    %c0_i32_0 = arith.constant 0 : i32
    %c0_i32_1 = arith.constant 0 : i32
    return %c0_i32, %c0_i32_0 : i32, i32
  }
  func.func @transform_3(%arg0: i32) -> (i32, i32) {
    %c0_i32 = arith.constant 0 : i32
    %c0_i32_0 = arith.constant 0 : i32
    %c0_i32_1 = arith.constant 0 : i32
    return %c0_i32, %c0_i32_0 : i32, i32
  }
  func.func @transform_4(%arg0: i32) -> (i32, i32) {
    %c0_i32 = arith.constant 0 : i32
    %c0_i32_0 = arith.constant 0 : i32
    return %arg0, %c0_i32 : i32, i32
  }
  func.func @transform_5(%arg0: i32) -> (i32, i32) {
    %c0_i32 = arith.constant 0 : i32
    %c0_i32_0 = arith.constant 0 : i32
    return %arg0, %c0_i32 : i32, i32
  }
  func.func @transform_6(%arg0: i32) -> (i32, i32) {
    %c0_i32 = arith.constant 0 : i32
    %c0_i32_0 = arith.constant 0 : i32
    return %arg0, %c0_i32 : i32, i32
  }
}

module attributes {stable_mosaic.version = 14 : i64} {
  func.func @_combine1_kernel(%arg0: i32, %arg1: memref<2x128x144xf32, #tpu.memory_space<vmem>>, %arg2: memref<8x256xf32, #tpu.memory_space<vmem>>, %arg3: memref<1x256xf32, #tpu.memory_space<vmem>>, %arg4: memref<256x40xf32, #tpu.memory_space<vmem>>, %arg5: memref<40x1xf32, #tpu.memory_space<vmem>>, %arg6: memref<40x1xf32, #tpu.memory_space<vmem>>, %arg7: memref<128x40xf32, #tpu.memory_space<vmem>>, %arg8: memref<128x1xf32, #tpu.memory_space<vmem>>, %arg9: memref<128x1xf32, #tpu.memory_space<vmem>>) attributes {dimension_semantics = [#tpu.dimension_semantics<arbitrary>], iteration_bounds = array<i64: 79>, scalar_prefetch = 0 : i64, scratch_operands = 0 : i64, tpu.core_type = #tpu.core_type<tc>, window_params = [{transform_indices = @transform_0, window_bounds = array<i64: 2, 128, 144>}, {pipeline_mode = #tpu.pipeline_mode<synchronous>, transform_indices = @transform_1, window_bounds = array<i64: 8, 256>}, {pipeline_mode = #tpu.pipeline_mode<synchronous>, transform_indices = @transform_2, window_bounds = array<i64: 1, 256>}, {pipeline_mode = #tpu.pipeline_mode<synchronous>, transform_indices = @transform_3, window_bounds = array<i64: 256, 40>}, {pipeline_mode = #tpu.pipeline_mode<synchronous>, transform_indices = @transform_4, window_bounds = array<i64: 40, 1>}, {pipeline_mode = #tpu.pipeline_mode<synchronous>, transform_indices = @transform_5, window_bounds = array<i64: 40, 1>}, {transform_indices = @transform_6, window_bounds = array<i64: 128, 40>}, {transform_indices = @transform_7, window_bounds = array<i64: 128, 1>}, {transform_indices = @transform_8, window_bounds = array<i64: 128, 1>}]} {
    %get3A = arith.constant 0 : index
    %get3A_0 = arith.constant 0 : index
    %get3A_1 = arith.constant 0 : index
    %get3A_2 = vector.load %arg1[%get3A, %get3A_0, %get3A_1] : memref<2x128x144xf32, #tpu.memory_space<vmem>>, vector<1x128x128xf32>
    %get3A_3 = vector.shape_cast %get3A_2 : vector<1x128x128xf32> to vector<128x128xf32>
    %get3A_4 = arith.constant 1 : index
    %get3A_5 = arith.constant 0 : index
    %get3A_6 = arith.constant 0 : index
    %get3A_7 = vector.load %arg1[%get3A_4, %get3A_5, %get3A_6] : memref<2x128x144xf32, #tpu.memory_space<vmem>>, vector<1x128x128xf32>
    %get3A_8 = vector.shape_cast %get3A_7 : vector<1x128x128xf32> to vector<128x128xf32>
    %concatenate3A = tpu.concatenate %get3A_3, %get3A_8 in 1 : vector<128x128xf32>, vector<128x128xf32> -> vector<128x256xf32>
    %get3A_9 = arith.constant 0 : index
    %get3A_10 = arith.constant 0 : index
    %get3A_11 = arith.constant 128 : index
    %get3A_12 = vector.load %arg1[%get3A_9, %get3A_10, %get3A_11] : memref<2x128x144xf32, #tpu.memory_space<vmem>>, vector<1x128x4xf32>
    %get3A_13 = vector.shape_cast %get3A_12 : vector<1x128x4xf32> to vector<128x4xf32>
    %get3A_14 = arith.constant 1 : index
    %get3A_15 = arith.constant 0 : index
    %get3A_16 = arith.constant 128 : index
    %get3A_17 = vector.load %arg1[%get3A_14, %get3A_15, %get3A_16] : memref<2x128x144xf32, #tpu.memory_space<vmem>>, vector<1x128x4xf32>
    %get3A_18 = vector.shape_cast %get3A_17 : vector<1x128x4xf32> to vector<128x4xf32>
    %concatenate3A_19 = tpu.concatenate %get3A_13, %get3A_18 in 1 : vector<128x4xf32>, vector<128x4xf32> -> vector<128x8xf32>
    %add3A = arith.constant 1.000000e-16 : f32
    %add3A_20 = vector.broadcast %add3A : f32 to vector<128x8xf32>
    %add3A_21 = arith.addf %concatenate3A_19, %add3A_20 : vector<128x8xf32>
    %div3A = arith.constant 1.000000e+00 : f32
    %div3A_22 = vector.broadcast %div3A : f32 to vector<128x8xf32>
    %div3A_23 = arith.divf %div3A_22, %add3A_21 : vector<128x8xf32>
    %get3A_24 = arith.constant 0 : index
    %get3A_25 = arith.constant 0 : index
    %get3A_26 = vector.load %arg2[%get3A_24, %get3A_25] : memref<8x256xf32, #tpu.memory_space<vmem>>, vector<8x256xf32>
    %dot_general3A = arith.constant dense<0.000000e+00> : vector<128x256xf32>
    %dot_general3A_27 = tpu.matmul %div3A_23, %get3A_26, %dot_general3A {dimension_numbers = #tpu.dot_dimension_numbers<[1], [0], [0], [1], [0, 0, 1, 1], [], []>, transpose_lhs_hint = false} : vector<128x8xf32>, vector<8x256xf32>, vector<128x256xf32> -> vector<128x256xf32>
    %mul3A = arith.mulf %concatenate3A, %dot_general3A_27 : vector<128x256xf32>
    %get3A_28 = arith.constant 0 : index
    %get3A_29 = arith.constant 0 : index
    %get3A_30 = vector.load %arg3[%get3A_28, %get3A_29] : memref<1x256xf32, #tpu.memory_space<vmem>>, vector<1x256xf32>
    %add3A_31 = vector.broadcast %get3A_30 : vector<1x256xf32> to vector<128x256xf32>
    %add3A_32 = arith.addf %mul3A, %add3A_31 : vector<128x256xf32>
    %gt3A = arith.constant 0.000000e+00 : f32
    %gt3A_33 = vector.broadcast %gt3A : f32 to vector<128x256xf32>
    %gt3A_34 = arith.cmpf ogt, %add3A_32, %gt3A_33 : vector<128x256xf32>
    %exp3A = math.exp %add3A_32 : vector<128x256xf32>
    %sub3A = arith.constant 1.000000e+00 : f32
    %sub3A_35 = vector.broadcast %sub3A : f32 to vector<128x256xf32>
    %sub3A_36 = arith.subf %exp3A, %sub3A_35 : vector<128x256xf32>
    %select_n3A = arith.select %gt3A_34, %add3A_32, %sub3A_36 : vector<128x256xi1>, vector<128x256xf32>
    %get3A_37 = arith.constant 0 : index
    %get3A_38 = arith.constant 0 : index
    %get3A_39 = vector.load %arg4[%get3A_37, %get3A_38] : memref<256x40xf32, #tpu.memory_space<vmem>>, vector<256x40xf32>
    %dot_general3A_40 = arith.constant dense<0.000000e+00> : vector<128x40xf32>
    %dot_general3A_41 = tpu.matmul %select_n3A, %get3A_39, %dot_general3A_40 {dimension_numbers = #tpu.dot_dimension_numbers<[1], [0], [0], [1], [0, 0, 1, 1], [], []>, transpose_lhs_hint = false} : vector<128x256xf32>, vector<256x40xf32>, vector<128x40xf32> -> vector<128x40xf32>
    %swap3A = arith.constant 0 : index
    %swap3A_42 = arith.constant 0 : index
    %swap3A_43 = vector.load %arg7[%swap3A, %swap3A_42] : memref<128x40xf32, #tpu.memory_space<vmem>>, vector<128x40xf32>
    tpu.vector_store %arg7[%swap3A, %swap3A_42], %dot_general3A_41 {strides = array<i32>} : memref<128x40xf32, #tpu.memory_space<vmem>>, vector<128x40xf32>,
    %get3A_44 = arith.constant 0 : index
    %get3A_45 = arith.constant 0 : index
    %get3A_46 = vector.load %arg5[%get3A_44, %get3A_45] : memref<40x1xf32, #tpu.memory_space<vmem>>, vector<40x1xf32>
    %dot_general3A_47 = arith.constant dense<0.000000e+00> : vector<128x1xf32>
    %dot_general3A_48 = tpu.matmul %dot_general3A_41, %get3A_46, %dot_general3A_47 {dimension_numbers = #tpu.dot_dimension_numbers<[1], [0], [0], [1], [0, 0, 1, 1], [], []>, transpose_lhs_hint = false} : vector<128x40xf32>, vector<40x1xf32>, vector<128x1xf32> -> vector<128x1xf32>
    %swap3A_49 = arith.constant 0 : index
    %swap3A_50 = arith.constant 0 : index
    %swap3A_51 = vector.load %arg8[%swap3A_49, %swap3A_50] : memref<128x1xf32, #tpu.memory_space<vmem>>, vector<128x1xf32>
    tpu.vector_store %arg8[%swap3A_49, %swap3A_50], %dot_general3A_48 {strides = array<i32>} : memref<128x1xf32, #tpu.memory_space<vmem>>, vector<128x1xf32>,
    %get3A_52 = arith.constant 0 : index
    %get3A_53 = arith.constant 0 : index
    %get3A_54 = vector.load %arg6[%get3A_52, %get3A_53] : memref<40x1xf32, #tpu.memory_space<vmem>>, vector<40x1xf32>
    %dot_general3A_55 = arith.constant dense<0.000000e+00> : vector<128x1xf32>
    %dot_general3A_56 = tpu.matmul %dot_general3A_41, %get3A_54, %dot_general3A_55 {dimension_numbers = #tpu.dot_dimension_numbers<[1], [0], [0], [1], [0, 0, 1, 1], [], []>, transpose_lhs_hint = false} : vector<128x40xf32>, vector<40x1xf32>, vector<128x1xf32> -> vector<128x1xf32>
    %swap3A_57 = arith.constant 0 : index
    %swap3A_58 = arith.constant 0 : index
    %swap3A_59 = vector.load %arg9[%swap3A_57, %swap3A_58] : memref<128x1xf32, #tpu.memory_space<vmem>>, vector<128x1xf32>
    tpu.vector_store %arg9[%swap3A_57, %swap3A_58], %dot_general3A_56 {strides = array<i32>} : memref<128x1xf32, #tpu.memory_space<vmem>>, vector<128x1xf32>,
    return
  }
  func.func @transform_0(%arg0: i32) -> (i32, i32, i32) {
    %c0_i32 = arith.constant 0 : i32
    %c0_i32_0 = arith.constant 0 : i32
    %c0_i32_1 = arith.constant 0 : i32
    return %c0_i32, %arg0, %c0_i32_0 : i32, i32, i32
  }
  func.func @transform_1(%arg0: i32) -> (i32, i32) {
    %c0_i32 = arith.constant 0 : i32
    %c0_i32_0 = arith.constant 0 : i32
    %c0_i32_1 = arith.constant 0 : i32
    return %c0_i32, %c0_i32_0 : i32, i32
  }
  func.func @transform_2(%arg0: i32) -> (i32, i32) {
    %c0_i32 = arith.constant 0 : i32
    %c0_i32_0 = arith.constant 0 : i32
    %c0_i32_1 = arith.constant 0 : i32
    return %c0_i32, %c0_i32_0 : i32, i32
  }
  func.func @transform_3(%arg0: i32) -> (i32, i32) {
    %c0_i32 = arith.constant 0 : i32
    %c0_i32_0 = arith.constant 0 : i32
    %c0_i32_1 = arith.constant 0 : i32
    return %c0_i32, %c0_i32_0 : i32, i32
  }
  func.func @transform_4(%arg0: i32) -> (i32, i32) {
    %c0_i32 = arith.constant 0 : i32
    %c0_i32_0 = arith.constant 0 : i32
    %c0_i32_1 = arith.constant 0 : i32
    return %c0_i32, %c0_i32_0 : i32, i32
  }
  func.func @transform_5(%arg0: i32) -> (i32, i32) {
    %c0_i32 = arith.constant 0 : i32
    %c0_i32_0 = arith.constant 0 : i32
    %c0_i32_1 = arith.constant 0 : i32
    return %c0_i32, %c0_i32_0 : i32, i32
  }
  func.func @transform_6(%arg0: i32) -> (i32, i32) {
    %c0_i32 = arith.constant 0 : i32
    %c0_i32_0 = arith.constant 0 : i32
    return %arg0, %c0_i32 : i32, i32
  }
  func.func @transform_7(%arg0: i32) -> (i32, i32) {
    %c0_i32 = arith.constant 0 : i32
    %c0_i32_0 = arith.constant 0 : i32
    return %arg0, %c0_i32 : i32, i32
  }
  func.func @transform_8(%arg0: i32) -> (i32, i32) {
    %c0_i32 = arith.constant 0 : i32
    %c0_i32_0 = arith.constant 0 : i32
    return %arg0, %c0_i32 : i32, i32
  }
}

module attributes {stable_mosaic.version = 14 : i64} {
  func.func @_combine2_kernel(%arg0: i32, %arg1: memref<2x128x48xf32, #tpu.memory_space<vmem>>, %arg2: memref<1x40xf32, #tpu.memory_space<vmem>>, %arg3: memref<128x40xf32, #tpu.memory_space<vmem>>) attributes {dimension_semantics = [#tpu.dimension_semantics<arbitrary>], iteration_bounds = array<i64: 79>, scalar_prefetch = 0 : i64, scratch_operands = 0 : i64, tpu.core_type = #tpu.core_type<tc>, window_params = [{transform_indices = @transform_0, window_bounds = array<i64: 2, 128, 48>}, {pipeline_mode = #tpu.pipeline_mode<synchronous>, transform_indices = @transform_1, window_bounds = array<i64: 1, 40>}, {transform_indices = @transform_2, window_bounds = array<i64: 128, 40>}]} {
    %get3A = arith.constant 0 : index
    %get3A_0 = arith.constant 0 : index
    %get3A_1 = arith.constant 0 : index
    %get3A_2 = vector.load %arg1[%get3A, %get3A_0, %get3A_1] : memref<2x128x48xf32, #tpu.memory_space<vmem>>, vector<1x128x40xf32>
    %get3A_3 = vector.shape_cast %get3A_2 : vector<1x128x40xf32> to vector<128x40xf32>
    %get3A_4 = arith.constant 1 : index
    %get3A_5 = arith.constant 0 : index
    %get3A_6 = arith.constant 0 : index
    %get3A_7 = vector.load %arg1[%get3A_4, %get3A_5, %get3A_6] : memref<2x128x48xf32, #tpu.memory_space<vmem>>, vector<1x128x40xf32>
    %get3A_8 = vector.shape_cast %get3A_7 : vector<1x128x40xf32> to vector<128x40xf32>
    %add3A = arith.addf %get3A_3, %get3A_8 : vector<128x40xf32>
    %get3A_9 = arith.constant 0 : index
    %get3A_10 = arith.constant 0 : index
    %get3A_11 = arith.constant 40 : index
    %get3A_12 = vector.load %arg1[%get3A_9, %get3A_10, %get3A_11] : memref<2x128x48xf32, #tpu.memory_space<vmem>>, vector<1x128x1xf32>
    %get3A_13 = vector.shape_cast %get3A_12 : vector<1x128x1xf32> to vector<128x1xf32>
    %get3A_14 = arith.constant 1 : index
    %get3A_15 = arith.constant 0 : index
    %get3A_16 = arith.constant 40 : index
    %get3A_17 = vector.load %arg1[%get3A_14, %get3A_15, %get3A_16] : memref<2x128x48xf32, #tpu.memory_space<vmem>>, vector<1x128x1xf32>
    %get3A_18 = vector.shape_cast %get3A_17 : vector<1x128x1xf32> to vector<128x1xf32>
    %add3A_19 = arith.addf %get3A_13, %get3A_18 : vector<128x1xf32>
    %add3A_20 = arith.constant 1.000000e-16 : f32
    %add3A_21 = vector.broadcast %add3A_20 : f32 to vector<128x1xf32>
    %add3A_22 = arith.addf %add3A_19, %add3A_21 : vector<128x1xf32>
    %div3A = vector.broadcast %add3A_22 : vector<128x1xf32> to vector<128x40xf32>
    %div3A_23 = arith.divf %add3A, %div3A : vector<128x40xf32>
    %get3A_24 = arith.constant 0 : index
    %get3A_25 = arith.constant 0 : index
    %get3A_26 = vector.load %arg2[%get3A_24, %get3A_25] : memref<1x40xf32, #tpu.memory_space<vmem>>, vector<1x40xf32>
    %add3A_27 = vector.broadcast %get3A_26 : vector<1x40xf32> to vector<128x40xf32>
    %add3A_28 = arith.addf %div3A_23, %add3A_27 : vector<128x40xf32>
    %reduce_max3A = arith.constant dense<0xFF800000> : vector<128xf32>
    %reduce_max3A_29 = vector.multi_reduction <maximumf>, %add3A_28, %reduce_max3A [1] : vector<128x40xf32> to vector<128xf32>
    %broadcast_in_dim3A = vector.shape_cast %reduce_max3A_29 : vector<128xf32> to vector<128x1xf32>
    %sub3A = vector.broadcast %broadcast_in_dim3A : vector<128x1xf32> to vector<128x40xf32>
    %sub3A_30 = arith.subf %add3A_28, %sub3A : vector<128x40xf32>
    %exp3A = math.exp %sub3A_30 : vector<128x40xf32>
    %reduce_sum3A = arith.constant dense<0.000000e+00> : vector<128xf32>
    %reduce_sum3A_31 = vector.multi_reduction <add>, %exp3A, %reduce_sum3A [1] : vector<128x40xf32> to vector<128xf32>
    %broadcast_in_dim3A_32 = vector.shape_cast %reduce_sum3A_31 : vector<128xf32> to vector<128x1xf32>
    %log3A = math.log %broadcast_in_dim3A_32 : vector<128x1xf32>
    %add3A_33 = arith.addf %log3A, %broadcast_in_dim3A : vector<128x1xf32>
    %sub3A_34 = vector.broadcast %add3A_33 : vector<128x1xf32> to vector<128x40xf32>
    %sub3A_35 = arith.subf %add3A_28, %sub3A_34 : vector<128x40xf32>
    %swap3A = arith.constant 0 : index
    %swap3A_36 = arith.constant 0 : index
    %swap3A_37 = vector.load %arg3[%swap3A, %swap3A_36] : memref<128x40xf32, #tpu.memory_space<vmem>>, vector<128x40xf32>
    tpu.vector_store %arg3[%swap3A, %swap3A_36], %sub3A_35 {strides = array<i32>} : memref<128x40xf32, #tpu.memory_space<vmem>>, vector<128x40xf32>,
    return
  }
  func.func @transform_0(%arg0: i32) -> (i32, i32, i32) {
    %c0_i32 = arith.constant 0 : i32
    %c0_i32_0 = arith.constant 0 : i32
    %c0_i32_1 = arith.constant 0 : i32
    return %c0_i32, %arg0, %c0_i32_0 : i32, i32, i32
  }
  func.func @transform_1(%arg0: i32) -> (i32, i32) {
    %c0_i32 = arith.constant 0 : i32
    %c0_i32_0 = arith.constant 0 : i32
    %c0_i32_1 = arith.constant 0 : i32
    return %c0_i32, %c0_i32_0 : i32, i32
  }
  func.func @transform_2(%arg0: i32) -> (i32, i32) {
    %c0_i32 = arith.constant 0 : i32
    %c0_i32_0 = arith.constant 0 : i32
    return %arg0, %c0_i32 : i32, i32
  }
}

</mosaic_0001>

<sc_bundles>
// kernel: kernel.10.cloned.1.call-start
scs
__scs_entry_jumppad:
0x0: {  	(pc) =	sbr.rel $0x88, $3  }
0x1: {  	(tag) =	ssettag $0x0;
	lr =	simm.s32 $0x1  }
0x2: {  	[smem:$0x3F97] =	sst lr;
	_ =	strace $0xD0000000  }
0x3: {  	_ = 	snop  }
0x4: {  	_ = 	snop  }
0x5: {  	_ = 	snop  }
0x6: {  	_ = 	snop  }
0x7: {  	_ = 	snop  }
__scs_overlays_trampoline_lowered:
0x8: {  	[smem:$0x3FA6] =	sst s0  }
0x9: {  	[smem:$0x3FA7] =	sst s1  }
0xa: {  	[smem:$0x3FA8] =	sst s2  }
0xb: {  	[smem:$0x3FA9] =	sst s3  }
0xc: {  	[smem:$0x3FAA] =	sst s4  }
0xd: {  	[smem:$0x3FAB] =	sst s5  }
0xe: {  	[smem:$0x3FAC] =	sst s6  }
0xf: {  	[smem:$0x3FAD] =	sst s7  }
0x10: {  	[smem:$0x3FAE] =	sst s8  }
0x11: {  	[smem:$0x3FAF] =	sst s9;
	s0 =	simm.s32 @!p0 $0x0  }
0x12: {  	s1 =	sld [smem:$0x3F95];
	s0 =	simm.s32 @p0 $0x1  }
0x13: {  	[smem:$0x3FB0] =	sst s0;
	s0 =	simm.s32 @!p1 $0x0  }
0x14: {  	s2 =	sld [smem:$0x3F94];
	s0 =	simm.s32 @p1 $0x1  }
0x15: {  	[smem:$0x3FB1] =	sst s0;
	s0 =	simm.s32 @!p2 $0x0  }
0x16: {  	s3 =	sld [smem:$0x3FDB];
	s0 =	simm.s32 @p2 $0x1  }
0x17: {  	s4 =	simm.s32 $0x1BF5;
	[smem:$0x3FB3] =	sst s0  }
0x18: {  	s0 =	sld [smem:$0x3F96];
	_ =	swait.ge [sflag:s4], $0x0  }
0x19: {  	s7 =	sld [smem:$0x3F97]  }
0x1a: {  	s8 =	sadd.s32 $0xFFFFE003, lr  }
0x1b: {  	s9 =	sadd.s32 $0xFFFFFEF7, lr;
	s5 =	simm.s32 $0xFFFFFFFF;
	p2 =	slt.u32 s8, $0xFFFFF086  }
0x1c: {  	p1 =	slt.u32 s9, $0xF7A;
	s5 =	simm.s32 @!p2 $0x0  }
0x1d: {  	s5 =	simm.s32 @p1 $0x1;
	p0 =	seq.s32 s7, s2  }
0x1e: {  	s7 =	smul.u32 @!p0 $0xF7A, s2;
	p2 =	seq.s32 @!p0 s5, $0x0  }
0x1f: {  	s9 =	smul.u32 $0xF7A, s1;
	s8 =	simm.s32 @!p0 $0x1BF5;
	p2 =	por !p2, p0  }
0x20: {  	[sflag:s8] =	ssyncset.s32 @!p0 $0xFFFFF086;
	s6 =	sadd.s32 @!p0 s3, s7;
	s7 =	simm.s32 @!p0 $0x108  }
0x21: {  	s3 =	sadd.s32 s3, s9;
	s6 =	sadd.s32 @!p0 $0x88, s6;
	s7 =	simm.s32 @p2 $0x1082  }
0x22: {  	[simem:s7], [sflag:s8] =	dma.local @!p0 [hbm:s6], $0xF7A  }
0x23: {  	s9 =	sor.u32 $0xD0000000, s2;
	s6 =	simm.s32 $0x108;
	_ =	swait.ge @!p0 [sflag:s8], $0x0  }
0x24: {  	s3 =	sadd.s32 $0x88, s3;
	s6 =	simm.s32 @!p1 $0x1082;
	[sflag:s4] =	ssyncset.s32 $0xFFFFF086  }
0x25: {  	[simem:s6], [sflag:s4] =	dma.local [hbm:s3], $0xF7A  }
0x26: {  	[smem:$0x3F97] =	sst s1;
	(tag) =	ssettag s2;
	_ =	strace s9  }
0x27: {  	s1 =	sld [smem:$0x3FA7]  }
0x28: {  	s2 =	sld [smem:$0x3FA8]  }
0x29: {  	s4 =	sld [smem:$0x3FAA]  }
0x2a: {  	p0 =	seq.s32 s5, $0x0;
	s5 =	sld [smem:$0x3FAB]  }
0x2b: {  	s6 =	sld [smem:$0x3FAC]  }
0x2c: {  	s7 =	sld [smem:$0x3FAD]  }
0x2d: {  	s3 =	simm.s32 $0x108;
	s8 =	sld [smem:$0x3FAE]  }
0x2e: {  	s3 =	simm.s32 @!p0 $0x1082;
	s9 =	sld [smem:$0x3FAF]  }
0x2f: {  	lr =	sadd.s32 s0, s3;
	s0 =	sld [smem:$0x3FA6]  }
0x30: {  	s3 =	sld [smem:$0x3FA9]  }
0x31: {  	[smem:$0x3FB2] =	sst s10  }
0x32: {  	s10 =	sld [smem:$0x3FB0];
	_ =	sdelay $0x3  }
0x33: {  	p0 =	seq.s32 s10, $0x1;
	s10 =	sld [smem:$0x3FB2];
	_ =	sdelay $0x3  }
0x34: {  	[smem:$0x3FB2] =	sst s10  }
0x35: {  	s10 =	sld [smem:$0x3FB1];
	_ =	sdelay $0x3  }
0x36: {  	p1 =	seq.s32 s10, $0x1;
	s10 =	sld [smem:$0x3FB2];
	_ =	sdelay $0x3  }
0x37: {  	[smem:$0x3FB2] =	sst s10  }
0x38: {  	s10 =	sld [smem:$0x3FB3]  }
0x39: {  	_ = 	snop;
	(pc) =	sbr.ind lr, $3  }
0x3a: {  	_ = 	snop  }
0x3b: {  	_ = 	snop  }
0x3c: {  	p2 =	seq.s32 s10, $0x1;
	s10 =	sld [smem:$0x3FB2]  }
0x3d: {  	_ =	shalt  }
0x3e: {  	_ =	shalt  }
0x3f: {  	_ =	shalt  }
0x40: {  	_ =	shalt  }
0x41: {  	_ =	shalt  }
0x42: {  	_ =	shalt  }
0x43: {  	_ =	shalt  }
0x44: {  	_ =	shalt  }
0x45: {  	_ =	shalt  }
0x46: {  	_ =	shalt  }
0x47: {  	_ =	shalt  }
0x48: {  	_ =	shalt  }
0x49: {  	_ =	shalt  }
0x4a: {  	_ =	shalt  }
0x4b: {  	_ =	shalt  }
0x4c: {  	_ =	shalt  }
0x4d: {  	_ =	shalt  }
0x4e: {  	_ =	shalt  }
0x4f: {  	_ =	shalt  }
0x50: {  	_ =	shalt  }
0x51: {  	_ =	shalt  }
0x52: {  	_ =	shalt  }
0x53: {  	_ =	shalt  }
0x54: {  	_ =	shalt  }
0x55: {  	_ =	shalt  }
0x56: {  	_ =	shalt  }
0x57: {  	_ =	shalt  }
0x58: {  	_ =	shalt  }
0x59: {  	_ =	shalt  }
0x5a: {  	_ =	shalt  }
0x5b: {  	_ =	shalt  }
0x5c: {  	_ =	shalt  }
0x5d: {  	_ =	shalt  }
0x5e: {  	_ =	shalt  }
0x5f: {  	_ =	shalt  }
0x60: {  	_ =	shalt  }
0x61: {  	_ =	shalt  }
0x62: {  	_ =	shalt  }
0x63: {  	_ =	shalt  }
0x64: {  	_ =	shalt  }
0x65: {  	_ =	shalt  }
0x66: {  	_ =	shalt  }
0x67: {  	_ =	shalt  }
0x68: {  	_ =	shalt  }
0x69: {  	_ =	shalt  }
0x6a: {  	_ =	shalt  }
0x6b: {  	_ =	shalt  }
0x6c: {  	_ =	shalt  }
0x6d: {  	_ =	shalt  }
0x6e: {  	_ =	shalt  }
0x6f: {  	_ =	shalt  }
0x70: {  	_ =	shalt  }
0x71: {  	_ =	shalt  }
0x72: {  	_ =	shalt  }
0x73: {  	_ =	shalt  }
0x74: {  	_ =	shalt  }
0x75: {  	_ =	shalt  }
0x76: {  	_ =	shalt  }
0x77: {  	_ =	shalt  }
0x78: {  	_ =	shalt  }
0x79: {  	_ =	shalt  }
0x7a: {  	_ =	shalt  }
0x7b: {  	_ =	shalt  }
0x7c: {  	_ =	shalt  }
0x7d: {  	_ =	shalt  }
0x7e: {  	_ =	shalt  }
0x7f: {  	_ =	shalt  }
0x80: {  	_ =	shalt  }
0x81: {  	_ =	shalt  }
0x82: {  	_ =	shalt  }
0x83: {  	_ =	shalt  }
0x84: {  	_ =	shalt  }
0x85: {  	_ =	shalt  }
0x86: {  	_ =	shalt  }
0x87: {  	_ =	shalt  }
.Lfunc_end0:
.L_simem_size_0:
called_computation.1_lowered:
.L_overlay_start_0:
0x88: {  	s2 =	sld [smem:$0x3FD9]  }
0x89: {  	s3 =	sld [smem:$0x3FFE];
	_ =	sdelay $0x1  }
0x8a: {  	s1 =	srdreg.scid  }
0x8b: {  	s0 =	sand.u32 $0x1, s1  }
0x8c: {  	s17 =	sshll.u32 s0, $0xA;
	s2 =	sadd.s32 s3, s2  }
0x8d: {  	s2 =	sadd.s32 s2, s17  }
0x8e: {  	[smem:$0x3FBE] =	sst s2  }
0x8f: {  	_ = 	snop  }
0x90: {  	s2 =	sld [smem:$0x3FD0];
	(tm) =	ssettm $0x1  }
0x91: {  	s18 =	sld [smem:$0x3FFB];
	_ =	sdelay $0x3  }
0x92: {  	_ =	strace s18  }
0x93: {  	s3 =	sld [smem:$0x3FFC];
	_ =	sdelay $0x3  }
0x94: {  	_ =	strace s3  }
0x95: {  	s3 =	sld [smem:$0x3FFD];
	_ =	sdelay $0x3  }
0x96: {  	_ =	strace s3  }
0x97: {  	_ =	strace $0x8FFFFFFF  }
0x98: {  	s19 =	sld [smem:$0x3FDB];
	_ =	sdelay $0x1  }
0x99: {  	s4 =	simm.s32 $_scs_section_size  }
0x9a: {  	s5 =	simm.s32 $_size__tile_overlayer_lowered;
	s6 =	simm.s32 $_tile_overlayer_lowered  }
0x9b: {  	s22 =	simm.s32 $0x1BFF;
	s21 =	sshll.u32 s6, $0x1;
	s3 =	sadd.s32 s4, s19  }
0x9c: {  	s7 =	simm.s32 $0x0;
	s20 =	sshll.u32 s5, $0x1;
	s5 =	sadd.s32 s21, s3  }
0x9d: {  	[timem:s7], [sflag:s22] =	dma.local [hbm:s5], s20  }
0x9e: {  	_ =	swait.ge [sflag:s22], s20  }
0x9f: {  	s4 =	ssub.s32 $0x0, s20;
	[sflag:s22] =	ssyncset.done $0x0  }
0xa0: {  	[sflag:s22] =	ssyncadd.s32 s4;
	_ =	sdelay $0x1  }
0xa1: {  	s23 =	simm.s32 $0x1B8B  }
0xa2: {  	_ =	swait.ge [sflag:s23], $0x1  }
0xa3: {  	[sflag:s23] =	ssyncset.done $0x0  }
0xa4: {  	s25 =	simm.s32 $0x1B8E;
	s24 =	sld [smem:$0x3FFE];
	[sflag:s23] =	ssyncadd.s32 $0xFFFFFFFF  }
0xa5: {  	s26 =	simm.s32 $execute0_lowered;
	[smem:$0x3FD2] =	sst s25  }
0xa6: {  	s5 =	sshll.u32 s26, $0x1;
	_ =	strace $0x80000049;
	[dreg:$0x1] =	wrdreg $0xFFFFFFFF  }
0xa7: {  	s28 =	simm.s32 $_size_execute0_lowered;
	s3 =	sadd.s32 s3, s5;
	[dreg:$0x0] =	wrdreg $0x0  }
0xa8: {  	s5 =	sshll.u32 s28, $0x1;
	[dreg:$0x2] =	wrdreg s3  }
0xa9: {  	[dreg:$0x3] =	wrdreg s5  }
0xaa: {  	[dreg:$0x4] =	wrdreg $0xC0  }
0xab: {  	_ =	task [dreg:s7], $0x5FFFF  }
0xac: {  	[dreg:$0x1] =	wrdreg $0xFFFFFFFF  }
0xad: {  	[dreg:$0x0] =	wrdreg $0x60  }
0xae: {  	[dreg:$0x2] =	wrdreg s24  }
0xaf: {  	[dreg:$0x3] =	wrdreg s2  }
0xb0: {  	[dreg:$0x4] =	wrdreg $0x39000  }
0xb1: {  	[dreg:$0x5] =	wrdreg $0x9  }
0xb2: {  	_ =	task.clear_ibuf [dreg:s7], $0x6FFFF;
	_ =	strace $0x90000049  }
0xb3: {  	s29 =	simm.s32 $0x9;
	_ =	strace $0x8000004B  }
0xb4: {  	_ =	swait.ge [sflag:s29], $0x1  }
0xb5: {  	[sflag:s29] =	ssyncadd.s32 $0xFFFFFFFF  }
0xb6: {  	_ =	strace $0x9000004B  }
0xb7: {  	_ =	sfence  }
0xb8: {  	s30 =	sld [smem:$0x0];
	_ =	sdelay $0x2  }
0xb9: {  	s31 =	sshll.u32 s1, $0xD;
	s1 =	sshrl.u32 s1, $0x2  }
0xba: {  	s3 =	sand.u32 $0x4000, s31;
	s1 =	sadd.s32 s1, s30  }
0xbb: {  	s0 =	sor.u32 s3, s0;
	s1 =	sshll.u32 s1, $0x11  }
0xbc: {  	s0 =	sor.u32 s1, s0  }
0xbd: {  	s0 =	sadd.s32 $0x8F2B, s0  }
0xbe: {  	[sflag:s0] =	ssyncadd.remote.s32 $0x1  }
0xbf: {  	_ =	sfence.sel $0xFFFF  }
0xc0: {  	[dreg:$0x0] =	wrdreg $0xFFFFFFFF;
	(pc) =	sbr.abs _section_cstart, $3  }
0xc1: {  	[dreg:$0x1] =	wrdreg $0xFFFFFFFF  }
0xc2: {  	_ =	task.clear_ibuf [dreg:s7], $0x2FFFF;
	_ =	strace $0x9FFFFFFF  }
0xc3: {  	(tm) =	ssettm $0x7FFFFFFF  }
tec
execute0_lowered:
.L_overlay_start_1:
0x0: {  	(tag) =	ssettag $0x1  }
0x1: {  	s8 =	rddreg [dreg:$0x0]  }
0x2: {  	s1 =	rddreg [dreg:$0x1]  }
0x3: {  	s2 =	rddreg [dreg:$0x2]  }
0x4: {  	s0 =	rddreg [dreg:$0x3]  }
0x5: {  	s3 =	simm.s32 $0x0;
	s7 =	srdreg.scid;
	s4 =	stileid.u32  }
0x6: {  	s18 =	simm.s32 $0x100;
	s19 =	simm.s32 $0x1;
	s20 =	simm.s32 $0x2  }
0x7: {  	[smem:$0x7FF] =	sst s3;
	s5 =	sadd.s32 $0xCA00, s8;
	s6 =	sadd.s32 $0x1B800, s8  }
0x8: {  	s12 =	sand.u32 $0x1, s7;
	s9 =	smul.u32 $0x1DA00, s4;
	s7 =	sadd.s32 $0x2600, s8  }
0x9: {  	s14 =	smul.u32 $0x7680, s4;
	s17 =	sshll.u32 s4, $0x1;
	_ =	strace $0x8000004A  }
0xa: {  	s10 =	smul.u32 $0xED00, s12;
	s11 =	ssub.s32 $0x2, s12;
	s17 =	sor.u32 s12, s17  }
0xb: {  	s13 =	sshrl.u32 s11, $0x1;
	s9 =	sshrl.u32 s9, $0x2;
	s22 =	sshrl.u32 s14, $0x3  }
0xc: {  	s15 =	sadd.s32 s10, s8;
	s16 =	ssub.s32 s11, s13;
	s31 =	sadd.s32 s9, s2  }
0xd: {  	s8 =	sadd.s32 s14, s2;
	s13 =	smul.u32 $0x2900, s17;
	s17 =	simm.s32 $0x80  }
0xe: {  	s9 =	sadd.s32 $0x1800, s31;
	s10 =	sadd.s32 $0x3000, s31;
	s11 =	sadd.s32 $0x4800, s31  }
0xf: {  	v0 =	vimm.f32 $0.0e+00;
	v1 =	vimm.s32 $0x8;
	s12 =	sadd.s32 $0x6000, s31;
	s21 =	sadd.s32 $0x20800, s15;
	s14 =	smax.u32 s16, $0x1  }
0x10: {  	v2 =	vimm.s32 $0x0;
	vm0 =	vcmask $0x3F24;
	vm1 =	vmmov $0xff;
	s15 =	simm.s32 $0x2100;
	s16 =	simm.s32 $0x3;
	s21 =	sadd.s32 s22, s21  }
.LBB2_1:
0x11: {  	s22 =	simm.s32 $0xC0;
	s23 =	simm.s32 $0x0  }
.LBB2_2:
0x12: {  	p0 =	sne.s32 s22, $0x5F40;
	[tilespmem:s23+$0x2120] =	vst v0;
	s24 =	smov.u32 s22;
	s22 =	sadd.s32 $0xC0, s22  }
.Ltmp0:
0x13: {  	[tilespmem:s23+$0x2100] =	vst v0;
	(pc) =	sbr.rel @p0 .LBB2_2-.Ltmp0, $2  }
0x14: {  	[tilespmem:s23+$0x2110] =	vst v0;
	_ =	sdelay $0x2  }
0x15: {  	s23 =	sshra.s32 s24, $0x2  }
0x16: {  	[tilespmem:s23+$0x2120] =	vst v0  }
0x17: {  	[tilespmem:s23+$0x2100] =	vst v0  }
0x18: {  	[tilespmem:s23+$0x2110] =	vst v0  }
0x19: {  	[spmem:s8] =	stream.linear.scatter [tilespmem:s15], [sflag:$0x3], $0x1800, $0x38;
	[tilespmem:$0xAF80] =	vst v63  }
0x1a: {  	_ =	swait.ge [sflag:s16], $0x1800  }
0x1b: {  	[sflag:s16] =	ssyncset.done $0x0  }
0x1c: {  	[sflag:s16] =	ssyncadd.s32 $0xFFFFE800  }
0x1d: {  	[spmem:s9] =	stream.linear.scatter [tilespmem:s15], [sflag:$0x3], $0x1800, $0x38;
	[tilespmem:$0xAF80] =	vst v63  }
0x1e: {  	_ =	swait.ge [sflag:s16], $0x1800  }
0x1f: {  	[sflag:s16] =	ssyncset.done $0x0  }
0x20: {  	[sflag:s16] =	ssyncadd.s32 $0xFFFFE800  }
0x21: {  	[spmem:s10] =	stream.linear.scatter [tilespmem:s15], [sflag:$0x3], $0x1800, $0x38;
	[tilespmem:$0xAF80] =	vst v63  }
0x22: {  	_ =	swait.ge [sflag:s16], $0x1800  }
0x23: {  	[sflag:s16] =	ssyncset.done $0x0  }
0x24: {  	[sflag:s16] =	ssyncadd.s32 $0xFFFFE800  }
0x25: {  	[spmem:s11] =	stream.linear.scatter [tilespmem:s15], [sflag:$0x3], $0x1800, $0x38;
	[tilespmem:$0xAF80] =	vst v63  }
0x26: {  	_ =	swait.ge [sflag:s16], $0x1800  }
0x27: {  	[sflag:s16] =	ssyncset.done $0x0  }
0x28: {  	[sflag:s16] =	ssyncadd.s32 $0xFFFFE800  }
0x29: {  	[spmem:s12] =	stream.linear.scatter [tilespmem:s15], [sflag:$0x3], $0x1680, $0x38;
	[tilespmem:$0xAF80] =	vst v63  }
0x2a: {  	_ =	swait.ge [sflag:s16], $0x1680  }
0x2b: {  	[sflag:s16] =	ssyncset.done $0x0  }
0x2c: {  	[sflag:s16] =	ssyncadd.s32 $0xFFFFE980  }
0x2d: {  	s22 =	simm.s32 $0x0;
	s23 =	simm.s32 $0x0;
	[bflag:$0x0] =	sbarrier.arrive $0xFFFF  }
.LBB2_4:
0x2e: {  	s24 =	sshll.u32 s23, $0x7  }
0x2f: {  	s24 =	sadd.s32 s13, s24  }
0x30: {  	s24 =	sshrl.u32 s24, $0x3  }
0x31: {  	s25 =	sadd.s32 s1, s24  }
0x32: {  	[tilespmem:s22], [sflag:$0x3] =	stream.linear.gather [hbm4b:s25+s22], $0x80, $0x38;
	[tilespmem:$0xAF80] =	vst v63  }
0x33: {  	_ =	swait.ge [sflag:s16], $0x80  }
0x34: {  	[sflag:s16] =	ssyncset.done $0x0  }
0x35: {  	s24 =	sadd.s32 s7, s24;
	[sflag:s16] =	ssyncadd.s32 $0xFFFFFF80  }
0x36: {  	[tilespmem:s17], [sflag:$0x3] =	stream.linear.gather [hbm4b:s24+s22], $0x80, $0x38;
	[tilespmem:$0xAF80] =	vst v63  }
0x37: {  	_ =	swait.ge [sflag:s16], $0x80  }
0x38: {  	[sflag:s16] =	ssyncset.done $0x0  }
0x39: {  	[sflag:s16] =	ssyncadd.s32 $0xFFFFFF80  }
0x3a: {  	[tilespmem:s18], [sflag:$0x1] =	stream.indirect.gather [hbm4b:s5+s17], $0x30, s22, s17, $0xb8;
	[tilespmem:$0xAF80] =	vst v63  }
0x3b: {  	s25 =	simm.s32 $0x1900  }
0x3c: {  	[tilespmem:s25], [sflag:$0x2] =	stream.indirect.gather [hbm4b:s6+s17], $0x10, s17, s17, $0xb8;
	[tilespmem:$0xAF80] =	vst v63  }
0x3d: {  	_ =	swait.ge [sflag:s19], $0x1800  }
0x3e: {  	[sflag:s19] =	ssyncset.done $0x0  }
0x3f: {  	[sflag:s19] =	ssyncadd.s32 $0xFFFFE800  }
0x40: {  	_ =	swait.ge [sflag:s20], $0x800  }
0x41: {  	[sflag:s20] =	ssyncset.done $0x0  }
0x42: {  	s24 =	simm.s32 $0x0;
	[sflag:s20] =	ssyncadd.s32 $0xFFFFF800  }
0x43: {  	s26 =	simm.s32 $0xC0;
	v3 =	vld [tilespmem:s24+$0x120]  }
.LBB2_5:
0x44: {  	p0 =	sne.s32 s26, $0x5F40;
	v4 =	vld [tilespmem:s25+$0x0];
	_ =	sdelay $0x4  }
0x45: {  	v5 =	vperm.xlane v3, v1;
	v4 =	vperm.xlane v4, v2;
	_ =	sdelay $0x1  }
0x46: {  	v4 =	vadd.f32 v4, v5;
	_ =	sdelay $0x1  }
0x47: {  	v5 =	vmul.f32 $2.000000030e-01, v4;
	_ =	sdelay $0x1  }
0x48: {  	v4 =	vmax.f32 v4, v5  }
0x49: {  	v4 =	vmul.f32 $1.442695020e+00, v4;
	_ =	sdelay $0x1  }
0x4a: {  	(erf) = vpow2.f32 v4;
	_ =	sdelay $0x4  }
0x4b: {  	v4 =	vld [tilespmem:s24+$0x100]  }
0x4c: {  	v5 =	vld [tilespmem:s24+$0x110];
	_ =	sdelay $0x2  }
0x4d: {  	v6 =	vpop (erf)  }
.Ltmp1:
0x4e: {  	v4 =	vmul.f32 v6, v4;
	v3 =	vmul.f32 v6, v3;
	(pc) =	sbr.rel @p0 .LBB2_5-.Ltmp1, $4  }
0x4f: {  	v5 =	vmul.f32 v6, v5;
	v6 =	vsel vm0, $0x0, v6  }
0x50: {  	[tilespmem:s24+$0x2100] =	vst v4;
	v3 =	vsel vm1, v3, v6  }
0x51: {  	s28 =	sshra.s32 s26, $0x2;
	[tilespmem:s24+$0x2120] =	vst v3  }
0x52: {  	s26 =	sadd.s32 $0xC0, s26;
	s25 =	sadd.s32 $0x10, s25;
	v3 =	vld [tilespmem:s28+$0x120];
	[tilespmem:s24+$0x2110] =	vst v5;
	s24 =	smov.u32 s28  }
0x53: {  	v4 =	vld [tilespmem:s25+$0x0];
	_ =	sdelay $0x4  }
0x54: {  	v5 =	vperm.xlane v3, v1;
	v4 =	vperm.xlane v4, v2;
	_ =	sdelay $0x1  }
0x55: {  	v4 =	vadd.f32 v4, v5;
	_ =	sdelay $0x1  }
0x56: {  	v5 =	vmul.f32 $2.000000030e-01, v4;
	_ =	sdelay $0x1  }
0x57: {  	v4 =	vmax.f32 v4, v5  }
0x58: {  	v4 =	vmul.f32 $1.442695020e+00, v4;
	_ =	sdelay $0x1  }
0x59: {  	(erf) = vpow2.f32 v4;
	_ =	sdelay $0x4  }
0x5a: {  	v62 =	vld [tilespmem:s24+$0x100]  }
0x5b: {  	v63 =	vld [tilespmem:s24+$0x110];
	_ =	sdelay $0x2  }
0x5c: {  	v6 =	vpop (erf)  }
0x5d: {  	v4 =	vmul.f32 v6, v62  }
0x5e: {  	v3 =	vmul.f32 v6, v3;
	v5 =	vmul.f32 v6, v63  }
0x5f: {  	s23 =	sadd.s32 $0x1, s23;
	v7 =	vsel vm0, $0x0, v6;
	[tilespmem:s24+$0x2100] =	vst v4  }
0x60: {  	p0 =	sne.s32 s23, $0x52;
	v3 =	vsel vm1, v3, v7;
	[tilespmem:s24+$0x2110] =	vst v5  }
.Ltmp2:
0x61: {  	[tilespmem:s24+$0x2120] =	vst v3;
	(pc) =	sbr.rel @p0 .LBB2_4-.Ltmp2, $4  }
0x62: {  	[spmem:s2] =	stream.indirect.scatter.add.f32 [tilespmem:s15], [sflag:$0x3], $0x30, s17, s17, $0xb8;
	[tilespmem:$0xAF80] =	vst v63  }
0x63: {  	_ =	swait.ge [sflag:s16], $0x1800  }
0x64: {  	[sflag:s16] =	ssyncset.done $0x0  }
0x65: {  	[sflag:s16] =	ssyncadd.s32 $0xFFFFE800  }
0x66: {  	s3 =	sadd.s32 $0x1, s3  }
0x67: {  	s22 =	sshll.u32 s4, $0x6;
	[bflag:$0x0] =	sbarrier.arrive $0xFFFF;
	p0 =	sne.s32 s3, s14  }
.Ltmp3:
0x68: {  	s23 =	sshrl.u32 s8, $0x3;
	s22 =	sor.u32 $0x1C03, s22;
	(pc) =	sbr.rel @p0 .LBB2_1-.Ltmp3, $4  }
0x69: {  	[hbm:s21], [sflag:s22] =	dma.local [spmem:s23], $0xED0  }
0x6a: {  	_ =	swait.ge [sflag:s16], $0xED0  }
0x6b: {  	[sflag:s16] =	ssyncset.done $0x0  }
0x6c: {  	[sflag:s16] =	ssyncadd.s32 $0xFFFFF130  }
0x6d: {  	_ =	sfence.sel $0x180000  }
0x6e: {  	[bflag:$0x0] =	sbarrier.arrive $0xFFFF  }
0x6f: {  	p0 =	sne.s32 s4, $0x0;
	_ =	strace $0x9000004A  }
0x70: {  	s0 =	sadd.s32 @!p0 $0x100000, s0;
	[bflag:$0x2] =	sbarrier.arrive $0xFFFF  }
0x71: {  	[sflag:s0] =	ssyncadd.tile.s32 @!p0 $0x1;
	_ =	shalt  }
.Lfunc_end2:
_tile_overlayer_lowered:
.L_overlay_start_2:
0x72: {  	(tag) =	ssettag $0x2  }
0x73: {  	s0 =	rddreg [dreg:$0x0];
	s2 =	stileid.u32  }
0x74: {  	s1 =	rddreg [dreg:$0x1];
	p0 =	sne.s32 s2, $0x0  }
0x75: {  	s3 =	rddreg [dreg:$0x2];
	[bflag:$0x3] =	sbarrier.arrive $0xFFFF;
	s2 =	simm.s32 @!p0 $0x1C03  }
0x76: {  	[timem:s3], [sflag:s2] =	dma.local @!p0 [hbm:s0], s1  }
0x77: {  	s0 =	simm.s32 @!p0 $0x3  }
0x78: {  	_ =	swait.ge @!p0 [sflag:s0], s1  }
0x79: {  	s1 =	ssub.s32 @!p0 $0x0, s1;
	[sflag:s0] =	ssyncset.done @!p0 $0x0  }
0x7a: {  	[sflag:s0] =	ssyncadd.s32 @!p0 s1  }
0x7b: {  	[bflag:$0x3] =	sbarrier.arrive $0xFFFF  }
0x7c: {  	_ =	shalt  }

// kernel: kernel.7.cloned.1.call-start
scs
__scs_entry_jumppad:
0x0: {  	(pc) =	sbr.rel $0x88, $3  }
0x1: {  	(tag) =	ssettag $0x0;
	lr =	simm.s32 $0x1  }
0x2: {  	[smem:$0x3F97] =	sst lr;
	_ =	strace $0xD0000000  }
0x3: {  	_ = 	snop  }
0x4: {  	_ = 	snop  }
0x5: {  	_ = 	snop  }
0x6: {  	_ = 	snop  }
0x7: {  	_ = 	snop  }
__scs_overlays_trampoline_lowered:
0x8: {  	[smem:$0x3FA6] =	sst s0  }
0x9: {  	[smem:$0x3FA7] =	sst s1  }
0xa: {  	[smem:$0x3FA8] =	sst s2  }
0xb: {  	[smem:$0x3FA9] =	sst s3  }
0xc: {  	[smem:$0x3FAA] =	sst s4  }
0xd: {  	[smem:$0x3FAB] =	sst s5  }
0xe: {  	[smem:$0x3FAC] =	sst s6  }
0xf: {  	[smem:$0x3FAD] =	sst s7  }
0x10: {  	[smem:$0x3FAE] =	sst s8  }
0x11: {  	[smem:$0x3FAF] =	sst s9;
	s0 =	simm.s32 @!p0 $0x0  }
0x12: {  	s1 =	sld [smem:$0x3F95];
	s0 =	simm.s32 @p0 $0x1  }
0x13: {  	[smem:$0x3FB0] =	sst s0;
	s0 =	simm.s32 @!p1 $0x0  }
0x14: {  	s2 =	sld [smem:$0x3F94];
	s0 =	simm.s32 @p1 $0x1  }
0x15: {  	[smem:$0x3FB1] =	sst s0;
	s0 =	simm.s32 @!p2 $0x0  }
0x16: {  	s3 =	sld [smem:$0x3FDB];
	s0 =	simm.s32 @p2 $0x1  }
0x17: {  	s4 =	simm.s32 $0x1BF5;
	[smem:$0x3FB3] =	sst s0  }
0x18: {  	s0 =	sld [smem:$0x3F96];
	_ =	swait.ge [sflag:s4], $0x0  }
0x19: {  	s7 =	sld [smem:$0x3F97]  }
0x1a: {  	s8 =	sadd.s32 $0xFFFFE003, lr  }
0x1b: {  	s9 =	sadd.s32 $0xFFFFFEF7, lr;
	s5 =	simm.s32 $0xFFFFFFFF;
	p2 =	slt.u32 s8, $0xFFFFF086  }
0x1c: {  	p1 =	slt.u32 s9, $0xF7A;
	s5 =	simm.s32 @!p2 $0x0  }
0x1d: {  	s5 =	simm.s32 @p1 $0x1;
	p0 =	seq.s32 s7, s2  }
0x1e: {  	s7 =	smul.u32 @!p0 $0xF7A, s2;
	p2 =	seq.s32 @!p0 s5, $0x0  }
0x1f: {  	s9 =	smul.u32 $0xF7A, s1;
	s8 =	simm.s32 @!p0 $0x1BF5;
	p2 =	por !p2, p0  }
0x20: {  	[sflag:s8] =	ssyncset.s32 @!p0 $0xFFFFF086;
	s6 =	sadd.s32 @!p0 s3, s7;
	s7 =	simm.s32 @!p0 $0x108  }
0x21: {  	s3 =	sadd.s32 s3, s9;
	s6 =	sadd.s32 @!p0 $0x88, s6;
	s7 =	simm.s32 @p2 $0x1082  }
0x22: {  	[simem:s7], [sflag:s8] =	dma.local @!p0 [hbm:s6], $0xF7A  }
0x23: {  	s9 =	sor.u32 $0xD0000000, s2;
	s6 =	simm.s32 $0x108;
	_ =	swait.ge @!p0 [sflag:s8], $0x0  }
0x24: {  	s3 =	sadd.s32 $0x88, s3;
	s6 =	simm.s32 @!p1 $0x1082;
	[sflag:s4] =	ssyncset.s32 $0xFFFFF086  }
0x25: {  	[simem:s6], [sflag:s4] =	dma.local [hbm:s3], $0xF7A  }
0x26: {  	[smem:$0x3F97] =	sst s1;
	(tag) =	ssettag s2;
	_ =	strace s9  }
0x27: {  	s1 =	sld [smem:$0x3FA7]  }
0x28: {  	s2 =	sld [smem:$0x3FA8]  }
0x29: {  	s4 =	sld [smem:$0x3FAA]  }
0x2a: {  	p0 =	seq.s32 s5, $0x0;
	s5 =	sld [smem:$0x3FAB]  }
0x2b: {  	s6 =	sld [smem:$0x3FAC]  }
0x2c: {  	s7 =	sld [smem:$0x3FAD]  }
0x2d: {  	s3 =	simm.s32 $0x108;
	s8 =	sld [smem:$0x3FAE]  }
0x2e: {  	s3 =	simm.s32 @!p0 $0x1082;
	s9 =	sld [smem:$0x3FAF]  }
0x2f: {  	lr =	sadd.s32 s0, s3;
	s0 =	sld [smem:$0x3FA6]  }
0x30: {  	s3 =	sld [smem:$0x3FA9]  }
0x31: {  	[smem:$0x3FB2] =	sst s10  }
0x32: {  	s10 =	sld [smem:$0x3FB0];
	_ =	sdelay $0x3  }
0x33: {  	p0 =	seq.s32 s10, $0x1;
	s10 =	sld [smem:$0x3FB2];
	_ =	sdelay $0x3  }
0x34: {  	[smem:$0x3FB2] =	sst s10  }
0x35: {  	s10 =	sld [smem:$0x3FB1];
	_ =	sdelay $0x3  }
0x36: {  	p1 =	seq.s32 s10, $0x1;
	s10 =	sld [smem:$0x3FB2];
	_ =	sdelay $0x3  }
0x37: {  	[smem:$0x3FB2] =	sst s10  }
0x38: {  	s10 =	sld [smem:$0x3FB3]  }
0x39: {  	_ = 	snop;
	(pc) =	sbr.ind lr, $3  }
0x3a: {  	_ = 	snop  }
0x3b: {  	_ = 	snop  }
0x3c: {  	p2 =	seq.s32 s10, $0x1;
	s10 =	sld [smem:$0x3FB2]  }
0x3d: {  	_ =	shalt  }
0x3e: {  	_ =	shalt  }
0x3f: {  	_ =	shalt  }
0x40: {  	_ =	shalt  }
0x41: {  	_ =	shalt  }
0x42: {  	_ =	shalt  }
0x43: {  	_ =	shalt  }
0x44: {  	_ =	shalt  }
0x45: {  	_ =	shalt  }
0x46: {  	_ =	shalt  }
0x47: {  	_ =	shalt  }
0x48: {  	_ =	shalt  }
0x49: {  	_ =	shalt  }
0x4a: {  	_ =	shalt  }
0x4b: {  	_ =	shalt  }
0x4c: {  	_ =	shalt  }
0x4d: {  	_ =	shalt  }
0x4e: {  	_ =	shalt  }
0x4f: {  	_ =	shalt  }
0x50: {  	_ =	shalt  }
0x51: {  	_ =	shalt  }
0x52: {  	_ =	shalt  }
0x53: {  	_ =	shalt  }
0x54: {  	_ =	shalt  }
0x55: {  	_ =	shalt  }
0x56: {  	_ =	shalt  }
0x57: {  	_ =	shalt  }
0x58: {  	_ =	shalt  }
0x59: {  	_ =	shalt  }
0x5a: {  	_ =	shalt  }
0x5b: {  	_ =	shalt  }
0x5c: {  	_ =	shalt  }
0x5d: {  	_ =	shalt  }
0x5e: {  	_ =	shalt  }
0x5f: {  	_ =	shalt  }
0x60: {  	_ =	shalt  }
0x61: {  	_ =	shalt  }
0x62: {  	_ =	shalt  }
0x63: {  	_ =	shalt  }
0x64: {  	_ =	shalt  }
0x65: {  	_ =	shalt  }
0x66: {  	_ =	shalt  }
0x67: {  	_ =	shalt  }
0x68: {  	_ =	shalt  }
0x69: {  	_ =	shalt  }
0x6a: {  	_ =	shalt  }
0x6b: {  	_ =	shalt  }
0x6c: {  	_ =	shalt  }
0x6d: {  	_ =	shalt  }
0x6e: {  	_ =	shalt  }
0x6f: {  	_ =	shalt  }
0x70: {  	_ =	shalt  }
0x71: {  	_ =	shalt  }
0x72: {  	_ =	shalt  }
0x73: {  	_ =	shalt  }
0x74: {  	_ =	shalt  }
0x75: {  	_ =	shalt  }
0x76: {  	_ =	shalt  }
0x77: {  	_ =	shalt  }
0x78: {  	_ =	shalt  }
0x79: {  	_ =	shalt  }
0x7a: {  	_ =	shalt  }
0x7b: {  	_ =	shalt  }
0x7c: {  	_ =	shalt  }
0x7d: {  	_ =	shalt  }
0x7e: {  	_ =	shalt  }
0x7f: {  	_ =	shalt  }
0x80: {  	_ =	shalt  }
0x81: {  	_ =	shalt  }
0x82: {  	_ =	shalt  }
0x83: {  	_ =	shalt  }
0x84: {  	_ =	shalt  }
0x85: {  	_ =	shalt  }
0x86: {  	_ =	shalt  }
0x87: {  	_ =	shalt  }
.Lfunc_end0:
.L_simem_size_0:
called_computation_lowered:
.L_overlay_start_0:
0x88: {  	s2 =	sld [smem:$0x3FD9]  }
0x89: {  	s3 =	sld [smem:$0x3FFE];
	_ =	sdelay $0x1  }
0x8a: {  	s1 =	srdreg.scid  }
0x8b: {  	s0 =	sand.u32 $0x1, s1  }
0x8c: {  	s17 =	sshll.u32 s0, $0xA;
	s2 =	sadd.s32 s3, s2  }
0x8d: {  	s2 =	sadd.s32 s2, s17  }
0x8e: {  	[smem:$0x3FBE] =	sst s2  }
0x8f: {  	_ = 	snop  }
0x90: {  	s2 =	sld [smem:$0x3FD0];
	(tm) =	ssettm $0x1  }
0x91: {  	s18 =	sld [smem:$0x3FFB];
	_ =	sdelay $0x3  }
0x92: {  	_ =	strace s18  }
0x93: {  	s3 =	sld [smem:$0x3FFC];
	_ =	sdelay $0x3  }
0x94: {  	_ =	strace s3  }
0x95: {  	s3 =	sld [smem:$0x3FFD];
	_ =	sdelay $0x3  }
0x96: {  	_ =	strace s3  }
0x97: {  	_ =	strace $0x8FFFFFFF  }
0x98: {  	s19 =	sld [smem:$0x3FDB];
	_ =	sdelay $0x1  }
0x99: {  	s4 =	simm.s32 $_scs_section_size  }
0x9a: {  	s5 =	simm.s32 $_size__tile_overlayer_lowered;
	s6 =	simm.s32 $_tile_overlayer_lowered  }
0x9b: {  	s22 =	simm.s32 $0x1BFF;
	s21 =	sshll.u32 s6, $0x1;
	s3 =	sadd.s32 s4, s19  }
0x9c: {  	s7 =	simm.s32 $0x0;
	s20 =	sshll.u32 s5, $0x1;
	s5 =	sadd.s32 s21, s3  }
0x9d: {  	[timem:s7], [sflag:s22] =	dma.local [hbm:s5], s20  }
0x9e: {  	_ =	swait.ge [sflag:s22], s20  }
0x9f: {  	s4 =	ssub.s32 $0x0, s20;
	[sflag:s22] =	ssyncset.done $0x0  }
0xa0: {  	[sflag:s22] =	ssyncadd.s32 s4;
	_ =	sdelay $0x1  }
0xa1: {  	s23 =	simm.s32 $0x1B8B  }
0xa2: {  	_ =	swait.ge [sflag:s23], $0x1  }
0xa3: {  	[sflag:s23] =	ssyncset.done $0x0  }
0xa4: {  	s25 =	simm.s32 $0x1B8E;
	s24 =	sld [smem:$0x3FFE];
	[sflag:s23] =	ssyncadd.s32 $0xFFFFFFFF  }
0xa5: {  	s26 =	simm.s32 $execute0_lowered;
	[smem:$0x3FD2] =	sst s25  }
0xa6: {  	s5 =	sshll.u32 s26, $0x1;
	_ =	strace $0x80000046;
	[dreg:$0x1] =	wrdreg $0xFFFFFFFF  }
0xa7: {  	s28 =	simm.s32 $_size_execute0_lowered;
	s3 =	sadd.s32 s3, s5;
	[dreg:$0x0] =	wrdreg $0x0  }
0xa8: {  	s5 =	sshll.u32 s28, $0x1;
	[dreg:$0x2] =	wrdreg s3  }
0xa9: {  	[dreg:$0x3] =	wrdreg s5  }
0xaa: {  	[dreg:$0x4] =	wrdreg $0xC0  }
0xab: {  	_ =	task [dreg:s7], $0x5FFFF  }
0xac: {  	[dreg:$0x1] =	wrdreg $0xFFFFFFFF  }
0xad: {  	[dreg:$0x0] =	wrdreg $0x60  }
0xae: {  	[dreg:$0x2] =	wrdreg s24  }
0xaf: {  	[dreg:$0x3] =	wrdreg s2  }
0xb0: {  	[dreg:$0x4] =	wrdreg $0x99000  }
0xb1: {  	[dreg:$0x5] =	wrdreg $0x9  }
0xb2: {  	_ =	task.clear_ibuf [dreg:s7], $0x6FFFF;
	_ =	strace $0x90000046  }
0xb3: {  	s29 =	simm.s32 $0x9;
	_ =	strace $0x80000048  }
0xb4: {  	_ =	swait.ge [sflag:s29], $0x1  }
0xb5: {  	[sflag:s29] =	ssyncadd.s32 $0xFFFFFFFF  }
0xb6: {  	_ =	strace $0x90000048  }
0xb7: {  	_ =	sfence  }
0xb8: {  	s30 =	sld [smem:$0x0];
	_ =	sdelay $0x2  }
0xb9: {  	s31 =	sshll.u32 s1, $0xD;
	s1 =	sshrl.u32 s1, $0x2  }
0xba: {  	s3 =	sand.u32 $0x4000, s31;
	s1 =	sadd.s32 s1, s30  }
0xbb: {  	s0 =	sor.u32 s3, s0;
	s1 =	sshll.u32 s1, $0x11  }
0xbc: {  	s0 =	sor.u32 s1, s0  }
0xbd: {  	s0 =	sadd.s32 $0x8F2B, s0  }
0xbe: {  	[sflag:s0] =	ssyncadd.remote.s32 $0x1  }
0xbf: {  	_ =	sfence.sel $0xFFFF  }
0xc0: {  	[dreg:$0x0] =	wrdreg $0xFFFFFFFF;
	(pc) =	sbr.abs _section_cstart, $3  }
0xc1: {  	[dreg:$0x1] =	wrdreg $0xFFFFFFFF  }
0xc2: {  	_ =	task.clear_ibuf [dreg:s7], $0x2FFFF;
	_ =	strace $0x9FFFFFFF  }
0xc3: {  	(tm) =	ssettm $0x7FFFFFFF  }
tec
execute0_lowered:
.L_overlay_start_1:
0x0: {  	(tag) =	ssettag $0x1  }
0x1: {  	s6 =	rddreg [dreg:$0x0]  }
0x2: {  	s1 =	rddreg [dreg:$0x1]  }
0x3: {  	s0 =	srdreg.scid;
	s3 =	stileid.u32  }
0x4: {  	s2 =	rddreg [dreg:$0x2];
	s4 =	simm.s32 $0x0;
	s8 =	smul.u32 $0x58E00, s3  }
0x5: {  	s17 =	simm.s32 $0x80;
	s18 =	simm.s32 $0x100;
	s14 =	smul.u32 $0x16380, s3  }
0x6: {  	s19 =	simm.s32 $0x1;
	s7 =	sand.u32 $0x1, s0;
	s11 =	smul.u32 $0x5200, s3  }
0x7: {  	s20 =	simm.s32 $0x2;
	s0 =	rddreg [dreg:$0x3];
	s5 =	smul.u32 $0x4F00, s7  }
0x8: {  	[smem:$0x7FF] =	sst s4;
	s9 =	smul.u32 $0x2C700, s7;
	s7 =	ssub.s32 $0x2, s7  }
0x9: {  	_ =	strace $0x80000047;
	s10 =	sshrl.u32 s7, $0x1;
	s8 =	sshrl.u32 s8, $0x2  }
0xa: {  	s22 =	sshrl.u32 s14, $0x3;
	s13 =	sadd.s32 s5, s6;
	s5 =	sadd.s32 $0x2600, s6  }
0xb: {  	s15 =	sadd.s32 s9, s6;
	s16 =	ssub.s32 s7, s10;
	s31 =	sadd.s32 s8, s2  }
0xc: {  	s6 =	sadd.s32 s14, s2;
	s7 =	sadd.s32 $0x4800, s31;
	s8 =	sadd.s32 $0x9000, s31  }
0xd: {  	s9 =	sadd.s32 $0xD800, s31;
	s10 =	sadd.s32 $0x12000, s31;
	s12 =	sadd.s32 $0x16800, s15  }
0xe: {  	v0 =	vimm.f32 $0.0e+00;
	vm0 =	vmmov $0xf;
	v1 =	vimm.s32 $0x0;
	s13 =	sadd.s32 $0xCA00, s13;
	s21 =	sadd.s32 $0x6F600, s15;
	s14 =	smax.u32 s16, $0x1  }
0xf: {  	v2 =	vimm.s32 $0x1;
	v3 =	vimm.s32 $0x2;
	v4 =	vimm.s32 $0x3;
	s15 =	simm.s32 $0x5100;
	s16 =	simm.s32 $0x3;
	s21 =	sadd.s32 s22, s21  }
.LBB2_1:
0x10: {  	s22 =	simm.s32 $0x0;
	s23 =	simm.s32 $0x240  }
.LBB2_2:
0x11: {  	p0 =	sne.s32 s23, $0x11DC0;
	[tilespmem:s22+$0x5180] =	vst v0  }
0x12: {  	[tilespmem:s22+$0x5100] =	vst v0  }
0x13: {  	[tilespmem:s22+$0x5110] =	vst v0  }
0x14: {  	[tilespmem:s22+$0x5120] =	vst v0  }
.Ltmp0:
0x15: {  	[tilespmem:s22+$0x5130] =	vst v0;
	(pc) =	sbr.rel @p0 .LBB2_2-.Ltmp0, $4  }
0x16: {  	[tilespmem:s22+$0x5140] =	vst v0  }
0x17: {  	[tilespmem:s22+$0x5150] =	vst v0  }
0x18: {  	[tilespmem:s22+$0x5160] =	vst v0  }
0x19: {  	[tilespmem:s22+$0x5170] =	vst v0;
	s22 =	sshra.s32 s23, $0x2;
	s23 =	sadd.s32 $0x240, s23  }
0x1a: {  	[tilespmem:s22+$0x5180] =	vst v0  }
0x1b: {  	[tilespmem:s22+$0x5100] =	vst v0  }
0x1c: {  	[tilespmem:s22+$0x5110] =	vst v0  }
0x1d: {  	[tilespmem:s22+$0x5120] =	vst v0  }
0x1e: {  	[tilespmem:s22+$0x5130] =	vst v0  }
0x1f: {  	[tilespmem:s22+$0x5140] =	vst v0  }
0x20: {  	[tilespmem:s22+$0x5150] =	vst v0  }
0x21: {  	[tilespmem:s22+$0x5160] =	vst v0  }
0x22: {  	[tilespmem:s22+$0x5170] =	vst v0  }
0x23: {  	[spmem:s6] =	stream.linear.scatter [tilespmem:s15], [sflag:$0x3], $0x4800, $0x38;
	[tilespmem:$0x1FC80] =	vst v63  }
0x24: {  	_ =	swait.ge [sflag:s16], $0x4800  }
0x25: {  	[sflag:s16] =	ssyncset.done $0x0  }
0x26: {  	[sflag:s16] =	ssyncadd.s32 $0xFFFFB800  }
0x27: {  	[spmem:s7] =	stream.linear.scatter [tilespmem:s15], [sflag:$0x3], $0x4800, $0x38;
	[tilespmem:$0x1FC80] =	vst v63  }
0x28: {  	_ =	swait.ge [sflag:s16], $0x4800  }
0x29: {  	[sflag:s16] =	ssyncset.done $0x0  }
0x2a: {  	[sflag:s16] =	ssyncadd.s32 $0xFFFFB800  }
0x2b: {  	[spmem:s8] =	stream.linear.scatter [tilespmem:s15], [sflag:$0x3], $0x4800, $0x38;
	[tilespmem:$0x1FC80] =	vst v63  }
0x2c: {  	_ =	swait.ge [sflag:s16], $0x4800  }
0x2d: {  	[sflag:s16] =	ssyncset.done $0x0  }
0x2e: {  	[sflag:s16] =	ssyncadd.s32 $0xFFFFB800  }
0x2f: {  	[spmem:s9] =	stream.linear.scatter [tilespmem:s15], [sflag:$0x3], $0x4800, $0x38;
	[tilespmem:$0x1FC80] =	vst v63  }
0x30: {  	_ =	swait.ge [sflag:s16], $0x4800  }
0x31: {  	[sflag:s16] =	ssyncset.done $0x0  }
0x32: {  	[sflag:s16] =	ssyncadd.s32 $0xFFFFB800  }
0x33: {  	[spmem:s10] =	stream.linear.scatter [tilespmem:s15], [sflag:$0x3], $0x4380, $0x38;
	[tilespmem:$0x1FC80] =	vst v63  }
0x34: {  	_ =	swait.ge [sflag:s16], $0x4380  }
0x35: {  	[sflag:s16] =	ssyncset.done $0x0  }
0x36: {  	[sflag:s16] =	ssyncadd.s32 $0xFFFFBC80  }
0x37: {  	s22 =	simm.s32 $0x0;
	s23 =	simm.s32 $0x0;
	[bflag:$0x0] =	sbarrier.arrive $0xFFFF  }
.LBB2_4:
0x38: {  	s24 =	sshll.u32 s23, $0x7  }
0x39: {  	s24 =	sadd.s32 s11, s24  }
0x3a: {  	s24 =	sshrl.u32 s24, $0x3  }
0x3b: {  	s25 =	sadd.s32 s1, s24  }
0x3c: {  	[tilespmem:s22], [sflag:$0x3] =	stream.linear.gather [hbm4b:s25+s22], $0x80, $0x38;
	[tilespmem:$0x1FC80] =	vst v63  }
0x3d: {  	_ =	swait.ge [sflag:s16], $0x80  }
0x3e: {  	[sflag:s16] =	ssyncset.done $0x0  }
0x3f: {  	s24 =	sadd.s32 s5, s24;
	[sflag:s16] =	ssyncadd.s32 $0xFFFFFF80  }
0x40: {  	[tilespmem:s17], [sflag:$0x3] =	stream.linear.gather [hbm4b:s24+s22], $0x80, $0x38;
	[tilespmem:$0x1FC80] =	vst v63  }
0x41: {  	_ =	swait.ge [sflag:s16], $0x80  }
0x42: {  	[sflag:s16] =	ssyncset.done $0x0  }
0x43: {  	[sflag:s16] =	ssyncadd.s32 $0xFFFFFF80  }
0x44: {  	[tilespmem:s18], [sflag:$0x1] =	stream.indirect.gather [hbm4b:s12+s17], $0x90, s22, s17, $0xb8;
	[tilespmem:$0x1FC80] =	vst v63  }
0x45: {  	s25 =	simm.s32 $0x4900  }
0x46: {  	[tilespmem:s25], [sflag:$0x2] =	stream.indirect.gather [hbm4b:s13+s17], $0x10, s17, s17, $0xb8;
	[tilespmem:$0x1FC80] =	vst v63  }
0x47: {  	_ =	swait.ge [sflag:s19], $0x4800  }
0x48: {  	[sflag:s19] =	ssyncset.done $0x0  }
0x49: {  	[sflag:s19] =	ssyncadd.s32 $0xFFFFB800  }
0x4a: {  	_ =	swait.ge [sflag:s20], $0x800  }
0x4b: {  	[sflag:s20] =	ssyncset.done $0x0  }
0x4c: {  	s24 =	simm.s32 $0x0;
	[sflag:s20] =	ssyncadd.s32 $0xFFFFF800  }
0x4d: {  	s26 =	simm.s32 $0x240;
	v5 =	vld [tilespmem:s24+$0x180]  }
.LBB2_5:
0x4e: {  	p0 =	sne.s32 s26, $0x11DC0;
	v6 =	vld [tilespmem:s25+$0x0];
	_ =	sdelay $0x4  }
0x4f: {  	v5 =	vadd.f32 v6, v5;
	_ =	sdelay $0x1  }
0x50: {  	v6 =	vmul.f32 $2.000000030e-01, v5;
	_ =	sdelay $0x1  }
0x51: {  	v5 =	vmax.f32 v5, v6  }
0x52: {  	v5 =	vmul.f32 $1.442695020e+00, v5;
	_ =	sdelay $0x1  }
0x53: {  	(erf) = vpow2.f32 v5;
	_ =	sdelay $0x2  }
0x54: {  	v5 =	vld [tilespmem:s24+$0x100]  }
0x55: {  	v6 =	vld [tilespmem:s24+$0x110]  }
0x56: {  	v7 =	vld [tilespmem:s24+$0x120]  }
0x57: {  	v8 =	vld [tilespmem:s24+$0x130]  }
0x58: {  	v9 =	vld [tilespmem:s24+$0x140]  }
0x59: {  	v10 =	vld [tilespmem:s24+$0x150]  }
0x5a: {  	v11 =	vld [tilespmem:s24+$0x160];
	v12 =	vpop (erf)  }
0x5b: {  	v13 =	vnsel vm0, $0x0, v12;
	v14 =	vperm.xlane v12, v1;
	v15 =	vperm.xlane v12, v2;
	v16 =	vld [tilespmem:s24+$0x170]  }
0x5c: {  	[tilespmem:s24+$0x5180] =	vst v13;
	v13 =	vperm.xlane v12, v3;
	v12 =	vperm.xlane v12, v4  }
0x5d: {  	v5 =	vmul.f32 v5, v14;
	v6 =	vmul.f32 v6, v14  }
0x5e: {  	v7 =	vmul.f32 v7, v15;
	v8 =	vmul.f32 v8, v15  }
0x5f: {  	[tilespmem:s24+$0x5100] =	vst v5;
	v5 =	vmul.f32 v9, v13;
	v9 =	vmul.f32 v10, v13  }
0x60: {  	[tilespmem:s24+$0x5110] =	vst v6;
	v6 =	vmul.f32 v11, v12;
	v10 =	vmul.f32 v16, v12  }
0x61: {  	[tilespmem:s24+$0x5120] =	vst v7  }
.Ltmp1:
0x62: {  	[tilespmem:s24+$0x5130] =	vst v8;
	(pc) =	sbr.rel @p0 .LBB2_5-.Ltmp1, $4  }
0x63: {  	[tilespmem:s24+$0x5140] =	vst v5  }
0x64: {  	[tilespmem:s24+$0x5150] =	vst v9  }
0x65: {  	s28 =	sshra.s32 s26, $0x2;
	[tilespmem:s24+$0x5160] =	vst v6  }
0x66: {  	s26 =	sadd.s32 $0x240, s26;
	s25 =	sadd.s32 $0x10, s25;
	v5 =	vld [tilespmem:s28+$0x180];
	[tilespmem:s24+$0x5170] =	vst v10;
	s24 =	smov.u32 s28  }
0x67: {  	v6 =	vld [tilespmem:s25+$0x0];
	_ =	sdelay $0x4  }
0x68: {  	v5 =	vadd.f32 v6, v5;
	_ =	sdelay $0x1  }
0x69: {  	v6 =	vmul.f32 $2.000000030e-01, v5;
	_ =	sdelay $0x1  }
0x6a: {  	v5 =	vmax.f32 v5, v6  }
0x6b: {  	v5 =	vmul.f32 $1.442695020e+00, v5;
	_ =	sdelay $0x1  }
0x6c: {  	(erf) = vpow2.f32 v5;
	_ =	sdelay $0x6  }
0x6d: {  	v5 =	vld [tilespmem:s24+$0x100]  }
0x6e: {  	v6 =	vld [tilespmem:s24+$0x110]  }
0x6f: {  	v7 =	vld [tilespmem:s24+$0x120];
	v10 =	vpop (erf)  }
0x70: {  	v9 =	vld [tilespmem:s24+$0x140];
	v12 =	vperm.xlane v10, v1  }
0x71: {  	v8 =	vld [tilespmem:s24+$0x130]  }
0x72: {  	v11 =	vld [tilespmem:s24+$0x150];
	v14 =	vnsel vm0, $0x0, v10;
	v15 =	vperm.xlane v10, v2;
	v5 =	vmul.f32 v5, v12  }
0x73: {  	v13 =	vld [tilespmem:s24+$0x160];
	v62 =	vperm.xlane v10, v3;
	[tilespmem:s24+$0x5180] =	vst v14;
	v6 =	vmul.f32 v6, v12  }
0x74: {  	v16 =	vld [tilespmem:s24+$0x170];
	v7 =	vmul.f32 v7, v15;
	[tilespmem:s24+$0x5100] =	vst v5  }
0x75: {  	v63 =	vmul.f32 v9, v62;
	[tilespmem:s24+$0x5110] =	vst v6  }
0x76: {  	v5 =	vmul.f32 v8, v15;
	v6 =	vperm.xlane v10, v4;
	[tilespmem:s24+$0x5120] =	vst v7  }
0x77: {  	v7 =	vmul.f32 v11, v62;
	[tilespmem:s24+$0x5140] =	vst v63  }
0x78: {  	[tilespmem:s24+$0x5130] =	vst v5;
	v5 =	vmul.f32 v13, v6  }
0x79: {  	s23 =	sadd.s32 $0x1, s23;
	v6 =	vmul.f32 v16, v6;
	[tilespmem:s24+$0x5150] =	vst v7  }
0x7a: {  	p0 =	sne.s32 s23, $0xA4;
	[tilespmem:s24+$0x5160] =	vst v5  }
.Ltmp2:
0x7b: {  	[tilespmem:s24+$0x5170] =	vst v6;
	(pc) =	sbr.rel @p0 .LBB2_4-.Ltmp2, $4  }
0x7c: {  	[spmem:s2] =	stream.indirect.scatter.add.f32 [tilespmem:s15], [sflag:$0x3], $0x90, s17, s17, $0xb8;
	[tilespmem:$0x1FC80] =	vst v63  }
0x7d: {  	_ =	swait.ge [sflag:s16], $0x4800  }
0x7e: {  	[sflag:s16] =	ssyncset.done $0x0  }
0x7f: {  	[sflag:s16] =	ssyncadd.s32 $0xFFFFB800  }
0x80: {  	s4 =	sadd.s32 $0x1, s4  }
0x81: {  	s22 =	sshll.u32 s3, $0x6;
	[bflag:$0x0] =	sbarrier.arrive $0xFFFF;
	p0 =	sne.s32 s4, s14  }
.Ltmp3:
0x82: {  	s23 =	sshrl.u32 s6, $0x3;
	s22 =	sor.u32 $0x1C03, s22;
	(pc) =	sbr.rel @p0 .LBB2_1-.Ltmp3, $4  }
0x83: {  	[hbm:s21], [sflag:s22] =	dma.local [spmem:s23], $0x2C70  }
0x84: {  	_ =	swait.ge [sflag:s16], $0x2C70  }
0x85: {  	[sflag:s16] =	ssyncset.done $0x0  }
0x86: {  	[sflag:s16] =	ssyncadd.s32 $0xFFFFD390  }
0x87: {  	_ =	sfence.sel $0x180000  }
0x88: {  	[bflag:$0x0] =	sbarrier.arrive $0xFFFF  }
0x89: {  	p0 =	sne.s32 s3, $0x0;
	_ =	strace $0x90000047  }
0x8a: {  	s0 =	sadd.s32 @!p0 $0x100000, s0;
	[bflag:$0x2] =	sbarrier.arrive $0xFFFF  }
0x8b: {  	[sflag:s0] =	ssyncadd.tile.s32 @!p0 $0x1;
	_ =	shalt  }
.Lfunc_end2:
_tile_overlayer_lowered:
.L_overlay_start_2:
0x8c: {  	(tag) =	ssettag $0x2  }
0x8d: {  	s0 =	rddreg [dreg:$0x0];
	s2 =	stileid.u32  }
0x8e: {  	s1 =	rddreg [dreg:$0x1];
	p0 =	sne.s32 s2, $0x0  }
0x8f: {  	s3 =	rddreg [dreg:$0x2];
	[bflag:$0x3] =	sbarrier.arrive $0xFFFF;
	s2 =	simm.s32 @!p0 $0x1C03  }
0x90: {  	[timem:s3], [sflag:s2] =	dma.local @!p0 [hbm:s0], s1  }
0x91: {  	s0 =	simm.s32 @!p0 $0x3  }
0x92: {  	_ =	swait.ge @!p0 [sflag:s0], s1  }
0x93: {  	s1 =	ssub.s32 @!p0 $0x0, s1;
	[sflag:s0] =	ssyncset.done @!p0 $0x0  }
0x94: {  	[sflag:s0] =	ssyncadd.s32 @!p0 s1  }
0x95: {  	[bflag:$0x3] =	sbarrier.arrive $0xFFFF  }
0x96: {  	_ =	shalt  }

</sc_bundles>
